<compile_context>
chip_gen: v7x
topology: tpu7x:2x2x1
jax: 0.10.2.dev20260603
libtpu: 0.0.44.dev20260713+nightly
codegen_flags: <defaults>
</compile_context>

<pallas_src>
import functools
import math

import jax
import jax.numpy as jnp
import numpy as np
from jax import lax
from jax.experimental import pallas as pl
from jax.experimental.pallas import tpu as pltpu
from jax.experimental.pallas import tpu_sc as plsc

RES = 512
TWO_PI = 2.0 * math.pi

REFINE = 64
FINE = RES * REFINE
C2 = FINE / TWO_PI
MAGIC = 1.5 * 2.0**23

L = 16
NC, NS = 2, 16
NW = NC * NS

ROWS = 4 * 8192
COLS = 2048
ROWS_W = ROWS // NW
STRIP = 8
NCHUNK = ROWS_W // STRIP

_mesh = plsc.VectorSubcoreMesh(core_axis_name="c", subcore_axis_name="s")


@functools.partial(
    pl.kernel,
    mesh=_mesh,
    out_type=jax.ShapeDtypeStruct((ROWS, COLS), jnp.float32),
    scratch_types=[
        pltpu.VMEM((RES,), jnp.float32),
        pltpu.VMEM((RES,), jnp.float32),
        pltpu.VMEM((FINE,), jnp.float32),
        pltpu.VMEM((2, STRIP, COLS), jnp.float32),
        pltpu.VMEM((2, STRIP, COLS), jnp.float32),
        pltpu.SemaphoreType.DMA,
        pltpu.SemaphoreType.DMA,
        pltpu.SemaphoreType.DMA,
        pltpu.SemaphoreType.DMA,
    ],
    compiler_params=pltpu.CompilerParams(
        needs_layout_passes=False, use_tc_tiling_on_sc=True
    ),
)
def _sin_lut_sc(
    phase_hbm, taba_hbm, tabb_hbm, out_hbm,
    taba_v, tabb_v, fine_v, in_v, out_v, isem0, isem1, osem0, osem1,
):
    wid = lax.axis_index("s") * NC + lax.axis_index("c")
    base = wid * ROWS_W
    pltpu.sync_copy(taba_hbm, taba_v)
    pltpu.sync_copy(tabb_hbm, tabb_v)

    @plsc.parallel_loop(0, FINE, step=L, unroll=4)
    def _(j0):
        j = j0 + lax.iota(jnp.int32, L)
        s = j >> 6
        f = (j & (REFINE - 1)).astype(jnp.float32) * jnp.float32(1.0 / REFINE)
        a = plsc.load_gather(taba_v, [s])
        d = plsc.load_gather(tabb_v, [s])
        fine_v[pl.ds(j0, L)] = a + f * d

    isems = (isem0, isem1)
    osems = (osem0, osem1)

    def in_slice(c):
        return phase_hbm.at[pl.ds(base + c * STRIP, STRIP), :]

    def out_slice(c):
        return out_hbm.at[pl.ds(base + c * STRIP, STRIP), :]

    pltpu.async_copy(in_slice(0), in_v.at[0], isems[0])
    pltpu.async_copy(in_slice(1), in_v.at[1], isems[1])

    def compute(b):
        @plsc.parallel_loop(0, STRIP * COLS, step=L, unroll=32)
        def _(e):
            rr = e >> 11
            cc = e & (COLS - 1)
            x = in_v[b, rr, pl.ds(cc, L)]
            y = x * jnp.float32(C2) + jnp.float32(MAGIC)
            idx = plsc.bitcast(y, jnp.int32) & (FINE - 1)
            out_v[b, rr, pl.ds(cc, L)] = plsc.load_gather(fine_v, [idx])

    def step(k, carry):
        for b in (0, 1):
            c = 2 * k + b
            pltpu.make_async_copy(in_slice(c), in_v.at[b], isems[b]).wait()

            @pl.when(k >= 1)
            def _():
                pltpu.make_async_copy(out_v.at[b], out_slice(c), osems[b]).wait()

            compute(b)
            pltpu.async_copy(out_v.at[b], out_slice(c), osems[b])

            @pl.when(c + 2 < NCHUNK)
            def _():
                pltpu.async_copy(in_slice(c + 2), in_v.at[b], isems[b])
        return carry

    lax.fori_loop(0, NCHUNK // 2, step, 0)
    pltpu.make_async_copy(out_v.at[0], out_slice(NCHUNK - 2), osems[0]).wait()
    pltpu.make_async_copy(out_v.at[1], out_slice(NCHUNK - 1), osems[1]).wait()


def kernel(phase, sin_table):
    tabb = jnp.roll(sin_table, -1) - sin_table
    out = _sin_lut_sc(phase.reshape(ROWS, COLS), sin_table, tabb)
    return out.reshape(phase.shape)

# --- scband reference (transcript-rebuilt; emitter-appended) ---
"""Pipeline reference for scband-sin-lut-35124242547409 (READ-ONLY COPY).

The authoritative reference and input builder live on the scoring server;
editing this copy changes nothing except your own understanding.
"""

import jax, jax.numpy as jnp
import numpy as np
import math

RES = 512
TWO_PI = 2.0 * math.pi

def setup_inputs(seed: int = 0) -> dict:
    key = jax.random.key(seed)
    phase = jax.random.normal(key, (4, 8192, 2048), dtype=jnp.float32)
    phases = jnp.linspace(0.0, TWO_PI, RES + 1, dtype=jnp.float32)[:-1]
    sin_table = jnp.sin(phases)
    return {"phase": phase, "sin_table": sin_table}

def reference(phase, sin_table):
    scale = jnp.float32(RES / TWO_PI)
    two_pi = jnp.float32(TWO_PI)
    # phase wrapping to [0, 2*pi) matching torch.fmod semantics (sign follows dividend)
    wrapped = jnp.fmod(phase, two_pi)
    wrapped = jnp.where(wrapped < 0, wrapped + two_pi, wrapped)
    continuous_idx = wrapped * scale
    idx_low = continuous_idx.astype(jnp.int32)  # truncation toward zero, matches .long() for non-negative inputs
    idx_high = (idx_low + 1) % RES
    frac = continuous_idx - idx_low.astype(jnp.float32)
    idx_low = idx_low % RES
    sin_low = jnp.take(sin_table, idx_low, axis=0)
    sin_high = jnp.take(sin_table, idx_high, axis=0)
    return sin_low + frac * (sin_high - sin_low)

if __name__ == "__main__":
    import jax
    _d = setup_inputs()
    print(jax.jit(kernel)(*tuple(_d.values())))

</pallas_src>

<mosaic_0001>
#map = affine_map<(d0, d1) -> (0, 0)>
#map1 = affine_map<(d0, d1) -> (0)>
module attributes {stable_mosaic.version = 14 : i64} {
  func.func @_sin_lut_sc(%arg0: i32, %arg1: i32, %arg2: memref<32768x2048xf32, #tpu.memory_space<hbm>>, %arg3: memref<512xf32, #tpu.memory_space<hbm>>, %arg4: memref<512xf32, #tpu.memory_space<hbm>>, %arg5: memref<32768x2048xf32, #tpu.memory_space<hbm>>, %arg6: memref<512xf32, #tpu.memory_space<vmem>>, %arg7: memref<512xf32, #tpu.memory_space<vmem>>, %arg8: memref<32768xf32, #tpu.memory_space<vmem>>, %arg9: memref<2x8x2048xf32, #tpu.memory_space<vmem>>, %arg10: memref<2x8x2048xf32, #tpu.memory_space<vmem>>, %arg11: memref<!tpu.dma_semaphore, #tpu.memory_space<semaphore_mem>>, %arg12: memref<!tpu.dma_semaphore, #tpu.memory_space<semaphore_mem>>, %arg13: memref<!tpu.dma_semaphore, #tpu.memory_space<semaphore_mem>>, %arg14: memref<!tpu.dma_semaphore, #tpu.memory_space<semaphore_mem>>) attributes {dimension_semantics = [#tpu.dimension_semantics<core_parallel>, #tpu.dimension_semantics<subcore_parallel>], iteration_bounds = array<i64: 2, 16>, scalar_prefetch = 0 : i64, scratch_operands = 9 : i64, tpu.core_type = #tpu.core_type<sc_vector_subcore>, window_params = [{transform_indices = #map}, {transform_indices = #map1}, {transform_indices = #map1}, {transform_indices = #map}]} {
    %mul3A = arith.constant 2 : i32
    %mul3A_0 = arith.muli %arg1, %mul3A : i32
    %add3A = arith.addi %mul3A_0, %arg0 : i32
    %mul3A_1 = arith.constant 1024 : i32
    %mul3A_2 = arith.muli %add3A, %mul3A_1 : i32
    "tpu.region"() ({
      %run_scoped3A = tpu.sem_alloc : memref<!tpu.dma_semaphore, #tpu.memory_space<semaphore_mem>>
      tpu.enqueue_dma source(%arg3 : memref<512xf32, #tpu.memory_space<hbm>>) target(%arg6 : memref<512xf32, #tpu.memory_space<vmem>>) target_semaphore(%run_scoped3A : memref<!tpu.dma_semaphore, #tpu.memory_space<semaphore_mem>>)
      tpu.wait_dma2 semaphore(%run_scoped3A : memref<!tpu.dma_semaphore, #tpu.memory_space<semaphore_mem>>) src(%arg3 : memref<512xf32, #tpu.memory_space<hbm>>) dst(%arg6 : memref<512xf32, #tpu.memory_space<vmem>>)
      tpu.yield
    }) : () -> ()
    "tpu.region"() ({
      %run_scoped3A = tpu.sem_alloc : memref<!tpu.dma_semaphore, #tpu.memory_space<semaphore_mem>>
      tpu.enqueue_dma source(%arg4 : memref<512xf32, #tpu.memory_space<hbm>>) target(%arg7 : memref<512xf32, #tpu.memory_space<vmem>>) target_semaphore(%run_scoped3A : memref<!tpu.dma_semaphore, #tpu.memory_space<semaphore_mem>>)
      tpu.wait_dma2 semaphore(%run_scoped3A : memref<!tpu.dma_semaphore, #tpu.memory_space<semaphore_mem>>) src(%arg4 : memref<512xf32, #tpu.memory_space<hbm>>) dst(%arg7 : memref<512xf32, #tpu.memory_space<vmem>>)
      tpu.yield
    }) : () -> ()
    %parallel_loop3A = arith.constant 0 : i32
    %parallel_loop3A_3 = arith.constant 32768 : i32
    %parallel_loop3A_4 = arith.constant 16 : i32
    scf.for %parallel_loop3A_68 = %parallel_loop3A to %parallel_loop3A_3 step %parallel_loop3A_4  : i32 {
      %parallel_loop3A_69 = tpu.iota {dimensions = array<i32: 0>} : vector<16xi32>
      %parallel_loop3A_70 = vector.broadcast %parallel_loop3A_68 : i32 to vector<16xi32>
      %parallel_loop3A_71 = arith.addi %parallel_loop3A_70, %parallel_loop3A_69 : vector<16xi32>
      %parallel_loop3A_72 = arith.constant 6 : i32
      %parallel_loop3A_73 = vector.broadcast %parallel_loop3A_72 : i32 to vector<16xi32>
      %parallel_loop3A_74 = arith.shrsi %parallel_loop3A_71, %parallel_loop3A_73 : vector<16xi32>
      %parallel_loop3A_75 = arith.constant 63 : i32
      %parallel_loop3A_76 = vector.broadcast %parallel_loop3A_75 : i32 to vector<16xi32>
      %parallel_loop3A_77 = arith.andi %parallel_loop3A_71, %parallel_loop3A_76 : vector<16xi32>
      %parallel_loop3A_78 = arith.sitofp %parallel_loop3A_77 : vector<16xi32> to vector<16xf32>
      %parallel_loop3A_79 = arith.constant 1.562500e-02 : f32
      %parallel_loop3A_80 = vector.broadcast %parallel_loop3A_79 : f32 to vector<16xf32>
      %parallel_loop3A_81 = arith.mulf %parallel_loop3A_78, %parallel_loop3A_80 : vector<16xf32>
      %parallel_loop3A_82 = tpu.vector_load_idx %arg6[%parallel_loop3A_74] : memref<512xf32, #tpu.memory_space<vmem>>[vector<16xi32>], vector<16xf32>,
      %parallel_loop3A_83 = tpu.vector_load_idx %arg7[%parallel_loop3A_74] : memref<512xf32, #tpu.memory_space<vmem>>[vector<16xi32>], vector<16xf32>,
      %parallel_loop3A_84 = arith.mulf %parallel_loop3A_81, %parallel_loop3A_83 : vector<16xf32>
      %parallel_loop3A_85 = arith.addf %parallel_loop3A_82, %parallel_loop3A_84 : vector<16xf32>
      %parallel_loop3A_86 = arith.index_cast %parallel_loop3A_68 : i32 to index
      %parallel_loop3A_87 = tpu.vector_load %arg8[%parallel_loop3A_86] {strides = array<i32>} : memref<32768xf32, #tpu.memory_space<vmem>>, vector<16xf32>,
      tpu.vector_store %arg8[%parallel_loop3A_86], %parallel_loop3A_85 {strides = array<i32>} : memref<32768xf32, #tpu.memory_space<vmem>>, vector<16xf32>,
    } {sc.loop_unroll_factor = 4 : i64, sc.parallel_access}
    %add3A_5 = arith.constant 0 : i32
    %add3A_6 = arith.addi %mul3A_2, %add3A_5 : i32
    %dma_start3A = arith.constant 0 : i32
    %dma_start3A_7 = arith.constant 0 : i32
    %dma_start3A_8 = arith.constant 0 : i32
    %dma_start3A_9 = tpu.memref_slice %arg9[%dma_start3A, %dma_start3A_7, %dma_start3A_8] : memref<2x8x2048xf32, #tpu.memory_space<vmem>> -> memref<1x8x2048xf32, #tpu.memory_space<vmem>>
    %dma_start3A_10 = tpu.memref_squeeze %dma_start3A_9 : memref<1x8x2048xf32, #tpu.memory_space<vmem>> -> memref<8x2048xf32, #tpu.memory_space<vmem>>
    %dma_start3A_11 = arith.constant 0 : i32
    %dma_start3A_12 = tpu.memref_slice %arg2[%add3A_6, %dma_start3A_11] : memref<32768x2048xf32, #tpu.memory_space<hbm>> -> memref<8x2048xf32, #tpu.memory_space<hbm>>
    %dma_start3A_13 = arith.constant 0 : i32
    %dma_start3A_14 = arith.constant 0 : i32
    %dma_start3A_15 = tpu.memref_slice %arg9[%dma_start3A, %dma_start3A_13, %dma_start3A_14] : memref<2x8x2048xf32, #tpu.memory_space<vmem>> -> memref<1x8x2048xf32, #tpu.memory_space<vmem>>
    %dma_start3A_16 = tpu.memref_squeeze %dma_start3A_15 : memref<1x8x2048xf32, #tpu.memory_space<vmem>> -> memref<8x2048xf32, #tpu.memory_space<vmem>>
    %dma_start3A_17 = arith.constant 0 : i32
    %dma_start3A_18 = tpu.memref_slice %arg2[%add3A_6, %dma_start3A_17] : memref<32768x2048xf32, #tpu.memory_space<hbm>> -> memref<8x2048xf32, #tpu.memory_space<hbm>>
    tpu.enqueue_dma source(%dma_start3A_18 : memref<8x2048xf32, #tpu.memory_space<hbm>>) target(%dma_start3A_16 : memref<8x2048xf32, #tpu.memory_space<vmem>>) target_semaphore(%arg11 : memref<!tpu.dma_semaphore, #tpu.memory_space<semaphore_mem>>)
    %add3A_19 = arith.constant 8 : i32
    %add3A_20 = arith.addi %mul3A_2, %add3A_19 : i32
    %dma_start3A_21 = arith.constant 1 : i32
    %dma_start3A_22 = arith.constant 0 : i32
    %dma_start3A_23 = arith.constant 0 : i32
    %dma_start3A_24 = tpu.memref_slice %arg9[%dma_start3A_21, %dma_start3A_22, %dma_start3A_23] : memref<2x8x2048xf32, #tpu.memory_space<vmem>> -> memref<1x8x2048xf32, #tpu.memory_space<vmem>>
    %dma_start3A_25 = tpu.memref_squeeze %dma_start3A_24 : memref<1x8x2048xf32, #tpu.memory_space<vmem>> -> memref<8x2048xf32, #tpu.memory_space<vmem>>
    %dma_start3A_26 = arith.constant 0 : i32
    %dma_start3A_27 = tpu.memref_slice %arg2[%add3A_20, %dma_start3A_26] : memref<32768x2048xf32, #tpu.memory_space<hbm>> -> memref<8x2048xf32, #tpu.memory_space<hbm>>
    %dma_start3A_28 = arith.constant 0 : i32
    %dma_start3A_29 = arith.constant 0 : i32
    %dma_start3A_30 = tpu.memref_slice %arg9[%dma_start3A_21, %dma_start3A_28, %dma_start3A_29] : memref<2x8x2048xf32, #tpu.memory_space<vmem>> -> memref<1x8x2048xf32, #tpu.memory_space<vmem>>
    %dma_start3A_31 = tpu.memref_squeeze %dma_start3A_30 : memref<1x8x2048xf32, #tpu.memory_space<vmem>> -> memref<8x2048xf32, #tpu.memory_space<vmem>>
    %dma_start3A_32 = arith.constant 0 : i32
    %dma_start3A_33 = tpu.memref_slice %arg2[%add3A_20, %dma_start3A_32] : memref<32768x2048xf32, #tpu.memory_space<hbm>> -> memref<8x2048xf32, #tpu.memory_space<hbm>>
    tpu.enqueue_dma source(%dma_start3A_33 : memref<8x2048xf32, #tpu.memory_space<hbm>>) target(%dma_start3A_31 : memref<8x2048xf32, #tpu.memory_space<vmem>>) target_semaphore(%arg12 : memref<!tpu.dma_semaphore, #tpu.memory_space<semaphore_mem>>)
    %scan3A = arith.constant 0 : i32
    %scan3A_34 = arith.constant 0 : i32
    %scan3A_35 = arith.constant 64 : i32
    %scan3A_36 = arith.addi %scan3A_34, %scan3A_35 : i32
    %scan3A_37 = arith.constant 1 : i32
    scf.for %scan3A_68 = %scan3A_34 to %scan3A_36 step %scan3A_37  : i32 {
      %mul3A_69 = arith.constant 2 : i32
      %mul3A_70 = arith.muli %mul3A_69, %scan3A_68 : i32
      %add3A_71 = arith.constant 0 : i32
      %add3A_72 = arith.addi %mul3A_70, %add3A_71 : i32
      %mul3A_73 = arith.constant 8 : i32
      %mul3A_74 = arith.muli %add3A_72, %mul3A_73 : i32
      %add3A_75 = arith.addi %mul3A_2, %mul3A_74 : i32
      %dma_wait3A_76 = arith.constant 0 : i32
      %dma_wait3A_77 = arith.constant 0 : i32
      %dma_wait3A_78 = arith.constant 0 : i32
      %dma_wait3A_79 = tpu.memref_slice %arg9[%dma_wait3A_76, %dma_wait3A_77, %dma_wait3A_78] : memref<2x8x2048xf32, #tpu.memory_space<vmem>> -> memref<1x8x2048xf32, #tpu.memory_space<vmem>>
      %dma_wait3A_80 = tpu.memref_squeeze %dma_wait3A_79 : memref<1x8x2048xf32, #tpu.memory_space<vmem>> -> memref<8x2048xf32, #tpu.memory_space<vmem>>
      %dma_wait3A_81 = arith.constant 0 : i32
      %dma_wait3A_82 = tpu.memref_slice %arg2[%add3A_75, %dma_wait3A_81] : memref<32768x2048xf32, #tpu.memory_space<hbm>> -> memref<8x2048xf32, #tpu.memory_space<hbm>>
      %dma_wait3A_83 = arith.constant 0 : i32
      %dma_wait3A_84 = arith.constant 0 : i32
      %dma_wait3A_85 = tpu.memref_slice %arg9[%dma_wait3A_76, %dma_wait3A_83, %dma_wait3A_84] : memref<2x8x2048xf32, #tpu.memory_space<vmem>> -> memref<1x8x2048xf32, #tpu.memory_space<vmem>>
      %dma_wait3A_86 = tpu.memref_squeeze %dma_wait3A_85 : memref<1x8x2048xf32, #tpu.memory_space<vmem>> -> memref<8x2048xf32, #tpu.memory_space<vmem>>
      %dma_wait3A_87 = arith.constant 0 : i32
      %dma_wait3A_88 = tpu.memref_slice %arg2[%add3A_75, %dma_wait3A_87] : memref<32768x2048xf32, #tpu.memory_space<hbm>> -> memref<8x2048xf32, #tpu.memory_space<hbm>>
      tpu.wait_dma2 semaphore(%arg11 : memref<!tpu.dma_semaphore, #tpu.memory_space<semaphore_mem>>) src(%dma_wait3A_88 : memref<8x2048xf32, #tpu.memory_space<hbm>>) dst(%dma_wait3A_86 : memref<8x2048xf32, #tpu.memory_space<vmem>>)
      %ge3A = arith.constant 1 : i32
      %ge3A_89 = arith.cmpi sge, %scan3A_68, %ge3A : i32
      %convert_element_type3A = arith.extui %ge3A_89 : i1 to i32
      %cond3A = arith.constant 0 : i32
      %cond3A_90 = arith.cmpi ne, %convert_element_type3A, %cond3A : i32
      scf.if %cond3A_90 {
        %mul3A_167 = arith.constant 8 : i32
        %mul3A_168 = arith.muli %add3A_72, %mul3A_167 : i32
        %add3A_169 = arith.addi %mul3A_2, %mul3A_168 : i32
        %dma_wait3A_170 = arith.constant 0 : i32
        %dma_wait3A_171 = arith.constant 0 : i32
        %dma_wait3A_172 = arith.constant 0 : i32
        %dma_wait3A_173 = tpu.memref_slice %arg10[%dma_wait3A_170, %dma_wait3A_171, %dma_wait3A_172] : memref<2x8x2048xf32, #tpu.memory_space<vmem>> -> memref<1x8x2048xf32, #tpu.memory_space<vmem>>
        %dma_wait3A_174 = tpu.memref_squeeze %dma_wait3A_173 : memref<1x8x2048xf32, #tpu.memory_space<vmem>> -> memref<8x2048xf32, #tpu.memory_space<vmem>>
        %dma_wait3A_175 = arith.constant 0 : i32
        %dma_wait3A_176 = tpu.memref_slice %arg5[%add3A_169, %dma_wait3A_175] : memref<32768x2048xf32, #tpu.memory_space<hbm>> -> memref<8x2048xf32, #tpu.memory_space<hbm>>
        %dma_wait3A_177 = arith.constant 0 : i32
        %dma_wait3A_178 = tpu.memref_slice %arg5[%add3A_169, %dma_wait3A_177] : memref<32768x2048xf32, #tpu.memory_space<hbm>> -> memref<8x2048xf32, #tpu.memory_space<hbm>>
        %dma_wait3A_179 = arith.constant 0 : i32
        %dma_wait3A_180 = arith.constant 0 : i32
        %dma_wait3A_181 = tpu.memref_slice %arg10[%dma_wait3A_170, %dma_wait3A_179, %dma_wait3A_180] : memref<2x8x2048xf32, #tpu.memory_space<vmem>> -> memref<1x8x2048xf32, #tpu.memory_space<vmem>>
        %dma_wait3A_182 = tpu.memref_squeeze %dma_wait3A_181 : memref<1x8x2048xf32, #tpu.memory_space<vmem>> -> memref<8x2048xf32, #tpu.memory_space<vmem>>
        tpu.wait_dma2 semaphore(%arg13 : memref<!tpu.dma_semaphore, #tpu.memory_space<semaphore_mem>>) src(%dma_wait3A_182 : memref<8x2048xf32, #tpu.memory_space<vmem>>) dst(%dma_wait3A_178 : memref<8x2048xf32, #tpu.memory_space<hbm>>)
      } else {
      }
      %parallel_loop3A_91 = arith.constant 0 : i32
      %parallel_loop3A_92 = arith.constant 16384 : i32
      %parallel_loop3A_93 = arith.constant 16 : i32
      scf.for %parallel_loop3A_167 = %parallel_loop3A_91 to %parallel_loop3A_92 step %parallel_loop3A_93  : i32 {
        %parallel_loop3A_168 = arith.constant 11 : i32
        %parallel_loop3A_169 = arith.shrsi %parallel_loop3A_167, %parallel_loop3A_168 : i32
        %parallel_loop3A_170 = arith.constant 2047 : i32
        %parallel_loop3A_171 = arith.andi %parallel_loop3A_167, %parallel_loop3A_170 : i32
        %parallel_loop3A_172 = arith.constant 0 : i32
        %parallel_loop3A_173 = arith.index_cast %parallel_loop3A_172 : i32 to index
        %parallel_loop3A_174 = arith.index_cast %parallel_loop3A_169 : i32 to index
        %parallel_loop3A_175 = arith.index_cast %parallel_loop3A_171 : i32 to index
        %parallel_loop3A_176 = tpu.vector_load %arg9[%parallel_loop3A_173, %parallel_loop3A_174, %parallel_loop3A_175] {strides = array<i32>} : memref<2x8x2048xf32, #tpu.memory_space<vmem>>, vector<16xf32>,
        %parallel_loop3A_177 = arith.constant 5215.18896 : f32
        %parallel_loop3A_178 = vector.broadcast %parallel_loop3A_177 : f32 to vector<16xf32>
        %parallel_loop3A_179 = arith.mulf %parallel_loop3A_176, %parallel_loop3A_178 : vector<16xf32>
        %parallel_loop3A_180 = arith.constant 0x4B400000 : f32
        %parallel_loop3A_181 = vector.broadcast %parallel_loop3A_180 : f32 to vector<16xf32>
        %parallel_loop3A_182 = arith.addf %parallel_loop3A_179, %parallel_loop3A_181 : vector<16xf32>
        %parallel_loop3A_183 = vector.bitcast %parallel_loop3A_182 : vector<16xf32> to vector<16xi32>
        %parallel_loop3A_184 = arith.constant 32767 : i32
        %parallel_loop3A_185 = vector.broadcast %parallel_loop3A_184 : i32 to vector<16xi32>
        %parallel_loop3A_186 = arith.andi %parallel_loop3A_183, %parallel_loop3A_185 : vector<16xi32>
        %parallel_loop3A_187 = tpu.vector_load_idx %arg8[%parallel_loop3A_186] : memref<32768xf32, #tpu.memory_space<vmem>>[vector<16xi32>], vector<16xf32>,
        %parallel_loop3A_188 = arith.constant 0 : i32
        %parallel_loop3A_189 = arith.index_cast %parallel_loop3A_188 : i32 to index
        %parallel_loop3A_190 = arith.index_cast %parallel_loop3A_169 : i32 to index
        %parallel_loop3A_191 = arith.index_cast %parallel_loop3A_171 : i32 to index
        %parallel_loop3A_192 = tpu.vector_load %arg10[%parallel_loop3A_189, %parallel_loop3A_190, %parallel_loop3A_191] {strides = array<i32>} : memref<2x8x2048xf32, #tpu.memory_space<vmem>>, vector<16xf32>,
        tpu.vector_store %arg10[%parallel_loop3A_189, %parallel_loop3A_190, %parallel_loop3A_191], %parallel_loop3A_187 {strides = array<i32>} : memref<2x8x2048xf32, #tpu.memory_space<vmem>>, vector<16xf32>,
      } {sc.loop_unroll_factor = 32 : i64, sc.parallel_access}
      %mul3A_94 = arith.constant 8 : i32
      %mul3A_95 = arith.muli %add3A_72, %mul3A_94 : i32
      %add3A_96 = arith.addi %mul3A_2, %mul3A_95 : i32
      %dma_start3A_97 = arith.constant 0 : i32
      %dma_start3A_98 = arith.constant 0 : i32
      %dma_start3A_99 = arith.constant 0 : i32
      %dma_start3A_100 = tpu.memref_slice %arg10[%dma_start3A_97, %dma_start3A_98, %dma_start3A_99] : memref<2x8x2048xf32, #tpu.memory_space<vmem>> -> memref<1x8x2048xf32, #tpu.memory_space<vmem>>
      %dma_start3A_101 = tpu.memref_squeeze %dma_start3A_100 : memref<1x8x2048xf32, #tpu.memory_space<vmem>> -> memref<8x2048xf32, #tpu.memory_space<vmem>>
      %dma_start3A_102 = arith.constant 0 : i32
      %dma_start3A_103 = tpu.memref_slice %arg5[%add3A_96, %dma_start3A_102] : memref<32768x2048xf32, #tpu.memory_space<hbm>> -> memref<8x2048xf32, #tpu.memory_space<hbm>>
      %dma_start3A_104 = arith.constant 0 : i32
      %dma_start3A_105 = tpu.memref_slice %arg5[%add3A_96, %dma_start3A_104] : memref<32768x2048xf32, #tpu.memory_space<hbm>> -> memref<8x2048xf32, #tpu.memory_space<hbm>>
      %dma_start3A_106 = arith.constant 0 : i32
      %dma_start3A_107 = arith.constant 0 : i32
      %dma_start3A_108 = tpu.memref_slice %arg10[%dma_start3A_97, %dma_start3A_106, %dma_start3A_107] : memref<2x8x2048xf32, #tpu.memory_space<vmem>> -> memref<1x8x2048xf32, #tpu.memory_space<vmem>>
      %dma_start3A_109 = tpu.memref_squeeze %dma_start3A_108 : memref<1x8x2048xf32, #tpu.memory_space<vmem>> -> memref<8x2048xf32, #tpu.memory_space<vmem>>
      tpu.enqueue_dma source(%dma_start3A_109 : memref<8x2048xf32, #tpu.memory_space<vmem>>) target(%dma_start3A_105 : memref<8x2048xf32, #tpu.memory_space<hbm>>) target_semaphore(%arg13 : memref<!tpu.dma_semaphore, #tpu.memory_space<semaphore_mem>>)
      %add3A_110 = arith.constant 2 : i32
      %add3A_111 = arith.addi %add3A_72, %add3A_110 : i32
      %lt3A = arith.constant 128 : i32
      %lt3A_112 = arith.cmpi slt, %add3A_111, %lt3A : i32
      %convert_element_type3A_113 = arith.extui %lt3A_112 : i1 to i32
      %cond3A_114 = arith.constant 0 : i32
      %cond3A_115 = arith.cmpi ne, %convert_element_type3A_113, %cond3A_114 : i32
      scf.if %cond3A_115 {
        %add3A_167 = arith.constant 2 : i32
        %add3A_168 = arith.addi %add3A_72, %add3A_167 : i32
        %mul3A_169 = arith.constant 8 : i32
        %mul3A_170 = arith.muli %add3A_168, %mul3A_169 : i32
        %add3A_171 = arith.addi %mul3A_2, %mul3A_170 : i32
        %dma_start3A_172 = arith.constant 0 : i32
        %dma_start3A_173 = arith.constant 0 : i32
        %dma_start3A_174 = arith.constant 0 : i32
        %dma_start3A_175 = tpu.memref_slice %arg9[%dma_start3A_172, %dma_start3A_173, %dma_start3A_174] : memref<2x8x2048xf32, #tpu.memory_space<vmem>> -> memref<1x8x2048xf32, #tpu.memory_space<vmem>>
        %dma_start3A_176 = tpu.memref_squeeze %dma_start3A_175 : memref<1x8x2048xf32, #tpu.memory_space<vmem>> -> memref<8x2048xf32, #tpu.memory_space<vmem>>
        %dma_start3A_177 = arith.constant 0 : i32
        %dma_start3A_178 = tpu.memref_slice %arg2[%add3A_171, %dma_start3A_177] : memref<32768x2048xf32, #tpu.memory_space<hbm>> -> memref<8x2048xf32, #tpu.memory_space<hbm>>
        %dma_start3A_179 = arith.constant 0 : i32
        %dma_start3A_180 = arith.constant 0 : i32
        %dma_start3A_181 = tpu.memref_slice %arg9[%dma_start3A_172, %dma_start3A_179, %dma_start3A_180] : memref<2x8x2048xf32, #tpu.memory_space<vmem>> -> memref<1x8x2048xf32, #tpu.memory_space<vmem>>
        %dma_start3A_182 = tpu.memref_squeeze %dma_start3A_181 : memref<1x8x2048xf32, #tpu.memory_space<vmem>> -> memref<8x2048xf32, #tpu.memory_space<vmem>>
        %dma_start3A_183 = arith.constant 0 : i32
        %dma_start3A_184 = tpu.memref_slice %arg2[%add3A_171, %dma_start3A_183] : memref<32768x2048xf32, #tpu.memory_space<hbm>> -> memref<8x2048xf32, #tpu.memory_space<hbm>>
        tpu.enqueue_dma source(%dma_start3A_184 : memref<8x2048xf32, #tpu.memory_space<hbm>>) target(%dma_start3A_182 : memref<8x2048xf32, #tpu.memory_space<vmem>>) target_semaphore(%arg11 : memref<!tpu.dma_semaphore, #tpu.memory_space<semaphore_mem>>)
      } else {
      }
      %mul3A_116 = arith.constant 2 : i32
      %mul3A_117 = arith.muli %mul3A_116, %scan3A_68 : i32
      %add3A_118 = arith.constant 1 : i32
      %add3A_119 = arith.addi %mul3A_117, %add3A_118 : i32
      %mul3A_120 = arith.constant 8 : i32
      %mul3A_121 = arith.muli %add3A_119, %mul3A_120 : i32
      %add3A_122 = arith.addi %mul3A_2, %mul3A_121 : i32
      %dma_wait3A_123 = arith.constant 1 : i32
      %dma_wait3A_124 = arith.constant 0 : i32
      %dma_wait3A_125 = arith.constant 0 : i32
      %dma_wait3A_126 = tpu.memref_slice %arg9[%dma_wait3A_123, %dma_wait3A_124, %dma_wait3A_125] : memref<2x8x2048xf32, #tpu.memory_space<vmem>> -> memref<1x8x2048xf32, #tpu.memory_space<vmem>>
      %dma_wait3A_127 = tpu.memref_squeeze %dma_wait3A_126 : memref<1x8x2048xf32, #tpu.memory_space<vmem>> -> memref<8x2048xf32, #tpu.memory_space<vmem>>
      %dma_wait3A_128 = arith.constant 0 : i32
      %dma_wait3A_129 = tpu.memref_slice %arg2[%add3A_122, %dma_wait3A_128] : memref<32768x2048xf32, #tpu.memory_space<hbm>> -> memref<8x2048xf32, #tpu.memory_space<hbm>>
      %dma_wait3A_130 = arith.constant 0 : i32
      %dma_wait3A_131 = arith.constant 0 : i32
      %dma_wait3A_132 = tpu.memref_slice %arg9[%dma_wait3A_123, %dma_wait3A_130, %dma_wait3A_131] : memref<2x8x2048xf32, #tpu.memory_space<vmem>> -> memref<1x8x2048xf32, #tpu.memory_space<vmem>>
      %dma_wait3A_133 = tpu.memref_squeeze %dma_wait3A_132 : memref<1x8x2048xf32, #tpu.memory_space<vmem>> -> memref<8x2048xf32, #tpu.memory_space<vmem>>
      %dma_wait3A_134 = arith.constant 0 : i32
      %dma_wait3A_135 = tpu.memref_slice %arg2[%add3A_122, %dma_wait3A_134] : memref<32768x2048xf32, #tpu.memory_space<hbm>> -> memref<8x2048xf32, #tpu.memory_space<hbm>>
      tpu.wait_dma2 semaphore(%arg12 : memref<!tpu.dma_semaphore, #tpu.memory_space<semaphore_mem>>) src(%dma_wait3A_135 : memref<8x2048xf32, #tpu.memory_space<hbm>>) dst(%dma_wait3A_133 : memref<8x2048xf32, #tpu.memory_space<vmem>>)
      %ge3A_136 = arith.constant 1 : i32
      %ge3A_137 = arith.cmpi sge, %scan3A_68, %ge3A_136 : i32
      %convert_element_type3A_138 = arith.extui %ge3A_137 : i1 to i32
      %cond3A_139 = arith.constant 0 : i32
      %cond3A_140 = arith.cmpi ne, %convert_element_type3A_138, %cond3A_139 : i32
      scf.if %cond3A_140 {
        %mul3A_167 = arith.constant 8 : i32
        %mul3A_168 = arith.muli %add3A_119, %mul3A_167 : i32
        %add3A_169 = arith.addi %mul3A_2, %mul3A_168 : i32
        %dma_wait3A_170 = arith.constant 1 : i32
        %dma_wait3A_171 = arith.constant 0 : i32
        %dma_wait3A_172 = arith.constant 0 : i32
        %dma_wait3A_173 = tpu.memref_slice %arg10[%dma_wait3A_170, %dma_wait3A_171, %dma_wait3A_172] : memref<2x8x2048xf32, #tpu.memory_space<vmem>> -> memref<1x8x2048xf32, #tpu.memory_space<vmem>>
        %dma_wait3A_174 = tpu.memref_squeeze %dma_wait3A_173 : memref<1x8x2048xf32, #tpu.memory_space<vmem>> -> memref<8x2048xf32, #tpu.memory_space<vmem>>
        %dma_wait3A_175 = arith.constant 0 : i32
        %dma_wait3A_176 = tpu.memref_slice %arg5[%add3A_169, %dma_wait3A_175] : memref<32768x2048xf32, #tpu.memory_space<hbm>> -> memref<8x2048xf32, #tpu.memory_space<hbm>>
        %dma_wait3A_177 = arith.constant 0 : i32
        %dma_wait3A_178 = tpu.memref_slice %arg5[%add3A_169, %dma_wait3A_177] : memref<32768x2048xf32, #tpu.memory_space<hbm>> -> memref<8x2048xf32, #tpu.memory_space<hbm>>
        %dma_wait3A_179 = arith.constant 0 : i32
        %dma_wait3A_180 = arith.constant 0 : i32
        %dma_wait3A_181 = tpu.memref_slice %arg10[%dma_wait3A_170, %dma_wait3A_179, %dma_wait3A_180] : memref<2x8x2048xf32, #tpu.memory_space<vmem>> -> memref<1x8x2048xf32, #tpu.memory_space<vmem>>
        %dma_wait3A_182 = tpu.memref_squeeze %dma_wait3A_181 : memref<1x8x2048xf32, #tpu.memory_space<vmem>> -> memref<8x2048xf32, #tpu.memory_space<vmem>>
        tpu.wait_dma2 semaphore(%arg14 : memref<!tpu.dma_semaphore, #tpu.memory_space<semaphore_mem>>) src(%dma_wait3A_182 : memref<8x2048xf32, #tpu.memory_space<vmem>>) dst(%dma_wait3A_178 : memref<8x2048xf32, #tpu.memory_space<hbm>>)
      } else {
      }
      %parallel_loop3A_141 = arith.constant 0 : i32
      %parallel_loop3A_142 = arith.constant 16384 : i32
      %parallel_loop3A_143 = arith.constant 16 : i32
      scf.for %parallel_loop3A_167 = %parallel_loop3A_141 to %parallel_loop3A_142 step %parallel_loop3A_143  : i32 {
        %parallel_loop3A_168 = arith.constant 11 : i32
        %parallel_loop3A_169 = arith.shrsi %parallel_loop3A_167, %parallel_loop3A_168 : i32
        %parallel_loop3A_170 = arith.constant 2047 : i32
        %parallel_loop3A_171 = arith.andi %parallel_loop3A_167, %parallel_loop3A_170 : i32
        %parallel_loop3A_172 = arith.constant 1 : i32
        %parallel_loop3A_173 = arith.index_cast %parallel_loop3A_172 : i32 to index
        %parallel_loop3A_174 = arith.index_cast %parallel_loop3A_169 : i32 to index
        %parallel_loop3A_175 = arith.index_cast %parallel_loop3A_171 : i32 to index
        %parallel_loop3A_176 = tpu.vector_load %arg9[%parallel_loop3A_173, %parallel_loop3A_174, %parallel_loop3A_175] {strides = array<i32>} : memref<2x8x2048xf32, #tpu.memory_space<vmem>>, vector<16xf32>,
        %parallel_loop3A_177 = arith.constant 5215.18896 : f32
        %parallel_loop3A_178 = vector.broadcast %parallel_loop3A_177 : f32 to vector<16xf32>
        %parallel_loop3A_179 = arith.mulf %parallel_loop3A_176, %parallel_loop3A_178 : vector<16xf32>
        %parallel_loop3A_180 = arith.constant 0x4B400000 : f32
        %parallel_loop3A_181 = vector.broadcast %parallel_loop3A_180 : f32 to vector<16xf32>
        %parallel_loop3A_182 = arith.addf %parallel_loop3A_179, %parallel_loop3A_181 : vector<16xf32>
        %parallel_loop3A_183 = vector.bitcast %parallel_loop3A_182 : vector<16xf32> to vector<16xi32>
        %parallel_loop3A_184 = arith.constant 32767 : i32
        %parallel_loop3A_185 = vector.broadcast %parallel_loop3A_184 : i32 to vector<16xi32>
        %parallel_loop3A_186 = arith.andi %parallel_loop3A_183, %parallel_loop3A_185 : vector<16xi32>
        %parallel_loop3A_187 = tpu.vector_load_idx %arg8[%parallel_loop3A_186] : memref<32768xf32, #tpu.memory_space<vmem>>[vector<16xi32>], vector<16xf32>,
        %parallel_loop3A_188 = arith.constant 1 : i32
        %parallel_loop3A_189 = arith.index_cast %parallel_loop3A_188 : i32 to index
        %parallel_loop3A_190 = arith.index_cast %parallel_loop3A_169 : i32 to index
        %parallel_loop3A_191 = arith.index_cast %parallel_loop3A_171 : i32 to index
        %parallel_loop3A_192 = tpu.vector_load %arg10[%parallel_loop3A_189, %parallel_loop3A_190, %parallel_loop3A_191] {strides = array<i32>} : memref<2x8x2048xf32, #tpu.memory_space<vmem>>, vector<16xf32>,
        tpu.vector_store %arg10[%parallel_loop3A_189, %parallel_loop3A_190, %parallel_loop3A_191], %parallel_loop3A_187 {strides = array<i32>} : memref<2x8x2048xf32, #tpu.memory_space<vmem>>, vector<16xf32>,
      } {sc.loop_unroll_factor = 32 : i64, sc.parallel_access}
      %mul3A_144 = arith.constant 8 : i32
      %mul3A_145 = arith.muli %add3A_119, %mul3A_144 : i32
      %add3A_146 = arith.addi %mul3A_2, %mul3A_145 : i32
      %dma_start3A_147 = arith.constant 1 : i32
      %dma_start3A_148 = arith.constant 0 : i32
      %dma_start3A_149 = arith.constant 0 : i32
      %dma_start3A_150 = tpu.memref_slice %arg10[%dma_start3A_147, %dma_start3A_148, %dma_start3A_149] : memref<2x8x2048xf32, #tpu.memory_space<vmem>> -> memref<1x8x2048xf32, #tpu.memory_space<vmem>>
      %dma_start3A_151 = tpu.memref_squeeze %dma_start3A_150 : memref<1x8x2048xf32, #tpu.memory_space<vmem>> -> memref<8x2048xf32, #tpu.memory_space<vmem>>
      %dma_start3A_152 = arith.constant 0 : i32
      %dma_start3A_153 = tpu.memref_slice %arg5[%add3A_146, %dma_start3A_152] : memref<32768x2048xf32, #tpu.memory_space<hbm>> -> memref<8x2048xf32, #tpu.memory_space<hbm>>
      %dma_start3A_154 = arith.constant 0 : i32
      %dma_start3A_155 = tpu.memref_slice %arg5[%add3A_146, %dma_start3A_154] : memref<32768x2048xf32, #tpu.memory_space<hbm>> -> memref<8x2048xf32, #tpu.memory_space<hbm>>
      %dma_start3A_156 = arith.constant 0 : i32
      %dma_start3A_157 = arith.constant 0 : i32
      %dma_start3A_158 = tpu.memref_slice %arg10[%dma_start3A_147, %dma_start3A_156, %dma_start3A_157] : memref<2x8x2048xf32, #tpu.memory_space<vmem>> -> memref<1x8x2048xf32, #tpu.memory_space<vmem>>
      %dma_start3A_159 = tpu.memref_squeeze %dma_start3A_158 : memref<1x8x2048xf32, #tpu.memory_space<vmem>> -> memref<8x2048xf32, #tpu.memory_space<vmem>>
      tpu.enqueue_dma source(%dma_start3A_159 : memref<8x2048xf32, #tpu.memory_space<vmem>>) target(%dma_start3A_155 : memref<8x2048xf32, #tpu.memory_space<hbm>>) target_semaphore(%arg14 : memref<!tpu.dma_semaphore, #tpu.memory_space<semaphore_mem>>)
      %add3A_160 = arith.constant 2 : i32
      %add3A_161 = arith.addi %add3A_119, %add3A_160 : i32
      %lt3A_162 = arith.constant 128 : i32
      %lt3A_163 = arith.cmpi slt, %add3A_161, %lt3A_162 : i32
      %convert_element_type3A_164 = arith.extui %lt3A_163 : i1 to i32
      %cond3A_165 = arith.constant 0 : i32
      %cond3A_166 = arith.cmpi ne, %convert_element_type3A_164, %cond3A_165 : i32
      scf.if %cond3A_166 {
        %add3A_167 = arith.constant 2 : i32
        %add3A_168 = arith.addi %add3A_119, %add3A_167 : i32
        %mul3A_169 = arith.constant 8 : i32
        %mul3A_170 = arith.muli %add3A_168, %mul3A_169 : i32
        %add3A_171 = arith.addi %mul3A_2, %mul3A_170 : i32
        %dma_start3A_172 = arith.constant 1 : i32
        %dma_start3A_173 = arith.constant 0 : i32
        %dma_start3A_174 = arith.constant 0 : i32
        %dma_start3A_175 = tpu.memref_slice %arg9[%dma_start3A_172, %dma_start3A_173, %dma_start3A_174] : memref<2x8x2048xf32, #tpu.memory_space<vmem>> -> memref<1x8x2048xf32, #tpu.memory_space<vmem>>
        %dma_start3A_176 = tpu.memref_squeeze %dma_start3A_175 : memref<1x8x2048xf32, #tpu.memory_space<vmem>> -> memref<8x2048xf32, #tpu.memory_space<vmem>>
        %dma_start3A_177 = arith.constant 0 : i32
        %dma_start3A_178 = tpu.memref_slice %arg2[%add3A_171, %dma_start3A_177] : memref<32768x2048xf32, #tpu.memory_space<hbm>> -> memref<8x2048xf32, #tpu.memory_space<hbm>>
        %dma_start3A_179 = arith.constant 0 : i32
        %dma_start3A_180 = arith.constant 0 : i32
        %dma_start3A_181 = tpu.memref_slice %arg9[%dma_start3A_172, %dma_start3A_179, %dma_start3A_180] : memref<2x8x2048xf32, #tpu.memory_space<vmem>> -> memref<1x8x2048xf32, #tpu.memory_space<vmem>>
        %dma_start3A_182 = tpu.memref_squeeze %dma_start3A_181 : memref<1x8x2048xf32, #tpu.memory_space<vmem>> -> memref<8x2048xf32, #tpu.memory_space<vmem>>
        %dma_start3A_183 = arith.constant 0 : i32
        %dma_start3A_184 = tpu.memref_slice %arg2[%add3A_171, %dma_start3A_183] : memref<32768x2048xf32, #tpu.memory_space<hbm>> -> memref<8x2048xf32, #tpu.memory_space<hbm>>
        tpu.enqueue_dma source(%dma_start3A_184 : memref<8x2048xf32, #tpu.memory_space<hbm>>) target(%dma_start3A_182 : memref<8x2048xf32, #tpu.memory_space<vmem>>) target_semaphore(%arg12 : memref<!tpu.dma_semaphore, #tpu.memory_space<semaphore_mem>>)
      } else {
      }
    }
    %scan3A_38 = arith.constant 64 : i32
    %add3A_39 = arith.constant 1008 : i32
    %add3A_40 = arith.addi %mul3A_2, %add3A_39 : i32
    %dma_wait3A = arith.constant 0 : i32
    %dma_wait3A_41 = arith.constant 0 : i32
    %dma_wait3A_42 = arith.constant 0 : i32
    %dma_wait3A_43 = tpu.memref_slice %arg10[%dma_wait3A, %dma_wait3A_41, %dma_wait3A_42] : memref<2x8x2048xf32, #tpu.memory_space<vmem>> -> memref<1x8x2048xf32, #tpu.memory_space<vmem>>
    %dma_wait3A_44 = tpu.memref_squeeze %dma_wait3A_43 : memref<1x8x2048xf32, #tpu.memory_space<vmem>> -> memref<8x2048xf32, #tpu.memory_space<vmem>>
    %dma_wait3A_45 = arith.constant 0 : i32
    %dma_wait3A_46 = tpu.memref_slice %arg5[%add3A_40, %dma_wait3A_45] : memref<32768x2048xf32, #tpu.memory_space<hbm>> -> memref<8x2048xf32, #tpu.memory_space<hbm>>
    %dma_wait3A_47 = arith.constant 0 : i32
    %dma_wait3A_48 = tpu.memref_slice %arg5[%add3A_40, %dma_wait3A_47] : memref<32768x2048xf32, #tpu.memory_space<hbm>> -> memref<8x2048xf32, #tpu.memory_space<hbm>>
    %dma_wait3A_49 = arith.constant 0 : i32
    %dma_wait3A_50 = arith.constant 0 : i32
    %dma_wait3A_51 = tpu.memref_slice %arg10[%dma_wait3A, %dma_wait3A_49, %dma_wait3A_50] : memref<2x8x2048xf32, #tpu.memory_space<vmem>> -> memref<1x8x2048xf32, #tpu.memory_space<vmem>>
    %dma_wait3A_52 = tpu.memref_squeeze %dma_wait3A_51 : memref<1x8x2048xf32, #tpu.memory_space<vmem>> -> memref<8x2048xf32, #tpu.memory_space<vmem>>
    tpu.wait_dma2 semaphore(%arg13 : memref<!tpu.dma_semaphore, #tpu.memory_space<semaphore_mem>>) src(%dma_wait3A_52 : memref<8x2048xf32, #tpu.memory_space<vmem>>) dst(%dma_wait3A_48 : memref<8x2048xf32, #tpu.memory_space<hbm>>)
    %add3A_53 = arith.constant 1016 : i32
    %add3A_54 = arith.addi %mul3A_2, %add3A_53 : i32
    %dma_wait3A_55 = arith.constant 1 : i32
    %dma_wait3A_56 = arith.constant 0 : i32
    %dma_wait3A_57 = arith.constant 0 : i32
    %dma_wait3A_58 = tpu.memref_slice %arg10[%dma_wait3A_55, %dma_wait3A_56, %dma_wait3A_57] : memref<2x8x2048xf32, #tpu.memory_space<vmem>> -> memref<1x8x2048xf32, #tpu.memory_space<vmem>>
    %dma_wait3A_59 = tpu.memref_squeeze %dma_wait3A_58 : memref<1x8x2048xf32, #tpu.memory_space<vmem>> -> memref<8x2048xf32, #tpu.memory_space<vmem>>
    %dma_wait3A_60 = arith.constant 0 : i32
    %dma_wait3A_61 = tpu.memref_slice %arg5[%add3A_54, %dma_wait3A_60] : memref<32768x2048xf32, #tpu.memory_space<hbm>> -> memref<8x2048xf32, #tpu.memory_space<hbm>>
    %dma_wait3A_62 = arith.constant 0 : i32
    %dma_wait3A_63 = tpu.memref_slice %arg5[%add3A_54, %dma_wait3A_62] : memref<32768x2048xf32, #tpu.memory_space<hbm>> -> memref<8x2048xf32, #tpu.memory_space<hbm>>
    %dma_wait3A_64 = arith.constant 0 : i32
    %dma_wait3A_65 = arith.constant 0 : i32
    %dma_wait3A_66 = tpu.memref_slice %arg10[%dma_wait3A_55, %dma_wait3A_64, %dma_wait3A_65] : memref<2x8x2048xf32, #tpu.memory_space<vmem>> -> memref<1x8x2048xf32, #tpu.memory_space<vmem>>
    %dma_wait3A_67 = tpu.memref_squeeze %dma_wait3A_66 : memref<1x8x2048xf32, #tpu.memory_space<vmem>> -> memref<8x2048xf32, #tpu.memory_space<vmem>>
    tpu.wait_dma2 semaphore(%arg14 : memref<!tpu.dma_semaphore, #tpu.memory_space<semaphore_mem>>) src(%dma_wait3A_67 : memref<8x2048xf32, #tpu.memory_space<vmem>>) dst(%dma_wait3A_63 : memref<8x2048xf32, #tpu.memory_space<hbm>>)
    return
  }
}

</mosaic_0001>

<sc_bundles>
// kernel: kernel.3.cloned.1.call-start
scs
__scs_entry_jumppad:
0x0: {  	(pc) =	sbr.rel $0x88, $3  }
0x1: {  	(tag) =	ssettag $0x0;
	lr =	simm.s32 $0x1  }
0x2: {  	[smem:$0x3F9F] =	sst lr;
	_ =	strace $0xD0000000  }
0x3: {  	_ = 	snop  }
0x4: {  	_ = 	snop  }
0x5: {  	_ = 	snop  }
0x6: {  	_ = 	snop  }
0x7: {  	_ = 	snop  }
__scs_overlays_trampoline_lowered:
0x8: {  	[smem:$0x3FAE] =	sst s0  }
0x9: {  	[smem:$0x3FAF] =	sst s1  }
0xa: {  	[smem:$0x3FB0] =	sst s2  }
0xb: {  	[smem:$0x3FB1] =	sst s3  }
0xc: {  	[smem:$0x3FB2] =	sst s4  }
0xd: {  	[smem:$0x3FB3] =	sst s5  }
0xe: {  	[smem:$0x3FB4] =	sst s6  }
0xf: {  	[smem:$0x3FB5] =	sst s7  }
0x10: {  	[smem:$0x3FB6] =	sst s8  }
0x11: {  	[smem:$0x3FB7] =	sst s9;
	s0 =	simm.s32 @!p0 $0x0  }
0x12: {  	s1 =	sld [smem:$0x3F9D];
	s0 =	simm.s32 @p0 $0x1  }
0x13: {  	[smem:$0x3FB8] =	sst s0;
	s0 =	simm.s32 @!p1 $0x0  }
0x14: {  	s2 =	sld [smem:$0x3F9C];
	s0 =	simm.s32 @p1 $0x1  }
0x15: {  	[smem:$0x3FB9] =	sst s0;
	s0 =	simm.s32 @!p2 $0x0  }
0x16: {  	s3 =	sld [smem:$0x3FDB];
	s0 =	simm.s32 @p2 $0x1  }
0x17: {  	s4 =	simm.s32 $0x1BF5;
	[smem:$0x3FBB] =	sst s0  }
0x18: {  	s0 =	sld [smem:$0x3F9E];
	_ =	swait.ge [sflag:s4], $0x0  }
0x19: {  	s7 =	sld [smem:$0x3F9F]  }
0x1a: {  	s8 =	sadd.s32 $0xFFFFE003, lr  }
0x1b: {  	s9 =	sadd.s32 $0xFFFFFEF7, lr;
	s5 =	simm.s32 $0xFFFFFFFF;
	p2 =	slt.u32 s8, $0xFFFFF086  }
0x1c: {  	p1 =	slt.u32 s9, $0xF7A;
	s5 =	simm.s32 @!p2 $0x0  }
0x1d: {  	s5 =	simm.s32 @p1 $0x1;
	p0 =	seq.s32 s7, s2  }
0x1e: {  	s7 =	smul.u32 @!p0 $0xF7A, s2;
	p2 =	seq.s32 @!p0 s5, $0x0  }
0x1f: {  	s9 =	smul.u32 $0xF7A, s1;
	s8 =	simm.s32 @!p0 $0x1BF5;
	p2 =	por !p2, p0  }
0x20: {  	[sflag:s8] =	ssyncset.s32 @!p0 $0xFFFFF086;
	s6 =	sadd.s32 @!p0 s3, s7;
	s7 =	simm.s32 @!p0 $0x108  }
0x21: {  	s3 =	sadd.s32 s3, s9;
	s6 =	sadd.s32 @!p0 $0x88, s6;
	s7 =	simm.s32 @p2 $0x1082  }
0x22: {  	[simem:s7], [sflag:s8] =	dma.local @!p0 [hbm:s6], $0xF7A  }
0x23: {  	s9 =	sor.u32 $0xD0000000, s2;
	s6 =	simm.s32 $0x108;
	_ =	swait.ge @!p0 [sflag:s8], $0x0  }
0x24: {  	s3 =	sadd.s32 $0x88, s3;
	s6 =	simm.s32 @!p1 $0x1082;
	[sflag:s4] =	ssyncset.s32 $0xFFFFF086  }
0x25: {  	[simem:s6], [sflag:s4] =	dma.local [hbm:s3], $0xF7A  }
0x26: {  	[smem:$0x3F9F] =	sst s1;
	(tag) =	ssettag s2;
	_ =	strace s9  }
0x27: {  	s1 =	sld [smem:$0x3FAF]  }
0x28: {  	s2 =	sld [smem:$0x3FB0]  }
0x29: {  	s4 =	sld [smem:$0x3FB2]  }
0x2a: {  	p0 =	seq.s32 s5, $0x0;
	s5 =	sld [smem:$0x3FB3]  }
0x2b: {  	s6 =	sld [smem:$0x3FB4]  }
0x2c: {  	s7 =	sld [smem:$0x3FB5]  }
0x2d: {  	s3 =	simm.s32 $0x108;
	s8 =	sld [smem:$0x3FB6]  }
0x2e: {  	s3 =	simm.s32 @!p0 $0x1082;
	s9 =	sld [smem:$0x3FB7]  }
0x2f: {  	lr =	sadd.s32 s0, s3;
	s0 =	sld [smem:$0x3FAE]  }
0x30: {  	s3 =	sld [smem:$0x3FB1]  }
0x31: {  	[smem:$0x3FBA] =	sst s10  }
0x32: {  	s10 =	sld [smem:$0x3FB8];
	_ =	sdelay $0x3  }
0x33: {  	p0 =	seq.s32 s10, $0x1;
	s10 =	sld [smem:$0x3FBA];
	_ =	sdelay $0x3  }
0x34: {  	[smem:$0x3FBA] =	sst s10  }
0x35: {  	s10 =	sld [smem:$0x3FB9];
	_ =	sdelay $0x3  }
0x36: {  	p1 =	seq.s32 s10, $0x1;
	s10 =	sld [smem:$0x3FBA];
	_ =	sdelay $0x3  }
0x37: {  	[smem:$0x3FBA] =	sst s10  }
0x38: {  	s10 =	sld [smem:$0x3FBB]  }
0x39: {  	_ = 	snop;
	(pc) =	sbr.ind lr, $3  }
0x3a: {  	_ = 	snop  }
0x3b: {  	_ = 	snop  }
0x3c: {  	p2 =	seq.s32 s10, $0x1;
	s10 =	sld [smem:$0x3FBA]  }
0x3d: {  	_ =	shalt  }
0x3e: {  	_ =	shalt  }
0x3f: {  	_ =	shalt  }
0x40: {  	_ =	shalt  }
0x41: {  	_ =	shalt  }
0x42: {  	_ =	shalt  }
0x43: {  	_ =	shalt  }
0x44: {  	_ =	shalt  }
0x45: {  	_ =	shalt  }
0x46: {  	_ =	shalt  }
0x47: {  	_ =	shalt  }
0x48: {  	_ =	shalt  }
0x49: {  	_ =	shalt  }
0x4a: {  	_ =	shalt  }
0x4b: {  	_ =	shalt  }
0x4c: {  	_ =	shalt  }
0x4d: {  	_ =	shalt  }
0x4e: {  	_ =	shalt  }
0x4f: {  	_ =	shalt  }
0x50: {  	_ =	shalt  }
0x51: {  	_ =	shalt  }
0x52: {  	_ =	shalt  }
0x53: {  	_ =	shalt  }
0x54: {  	_ =	shalt  }
0x55: {  	_ =	shalt  }
0x56: {  	_ =	shalt  }
0x57: {  	_ =	shalt  }
0x58: {  	_ =	shalt  }
0x59: {  	_ =	shalt  }
0x5a: {  	_ =	shalt  }
0x5b: {  	_ =	shalt  }
0x5c: {  	_ =	shalt  }
0x5d: {  	_ =	shalt  }
0x5e: {  	_ =	shalt  }
0x5f: {  	_ =	shalt  }
0x60: {  	_ =	shalt  }
0x61: {  	_ =	shalt  }
0x62: {  	_ =	shalt  }
0x63: {  	_ =	shalt  }
0x64: {  	_ =	shalt  }
0x65: {  	_ =	shalt  }
0x66: {  	_ =	shalt  }
0x67: {  	_ =	shalt  }
0x68: {  	_ =	shalt  }
0x69: {  	_ =	shalt  }
0x6a: {  	_ =	shalt  }
0x6b: {  	_ =	shalt  }
0x6c: {  	_ =	shalt  }
0x6d: {  	_ =	shalt  }
0x6e: {  	_ =	shalt  }
0x6f: {  	_ =	shalt  }
0x70: {  	_ =	shalt  }
0x71: {  	_ =	shalt  }
0x72: {  	_ =	shalt  }
0x73: {  	_ =	shalt  }
0x74: {  	_ =	shalt  }
0x75: {  	_ =	shalt  }
0x76: {  	_ =	shalt  }
0x77: {  	_ =	shalt  }
0x78: {  	_ =	shalt  }
0x79: {  	_ =	shalt  }
0x7a: {  	_ =	shalt  }
0x7b: {  	_ =	shalt  }
0x7c: {  	_ =	shalt  }
0x7d: {  	_ =	shalt  }
0x7e: {  	_ =	shalt  }
0x7f: {  	_ =	shalt  }
0x80: {  	_ =	shalt  }
0x81: {  	_ =	shalt  }
0x82: {  	_ =	shalt  }
0x83: {  	_ =	shalt  }
0x84: {  	_ =	shalt  }
0x85: {  	_ =	shalt  }
0x86: {  	_ =	shalt  }
0x87: {  	_ =	shalt  }
.Lfunc_end0:
.L_simem_size_0:
called_computation_lowered:
.L_overlay_start_0:
0x88: {  	s2 =	sld [smem:$0x3FD9]  }
0x89: {  	s3 =	sld [smem:$0x3FFE];
	_ =	sdelay $0x1  }
0x8a: {  	s1 =	srdreg.scid  }
0x8b: {  	s0 =	sand.u32 $0x1, s1  }
0x8c: {  	s17 =	sshll.u32 s0, $0xA;
	s2 =	sadd.s32 s3, s2  }
0x8d: {  	s2 =	sadd.s32 s2, s17  }
0x8e: {  	[smem:$0x3FC6] =	sst s2  }
0x8f: {  	_ = 	snop  }
0x90: {  	s2 =	sld [smem:$0x3FC9]  }
0x91: {  	s18 =	sld [smem:$0x3FC8]  }
0x92: {  	s4 =	sld [smem:$0x3FD0];
	(tm) =	ssettm $0x1  }
0x93: {  	s5 =	sld [smem:$0x3FFB];
	_ =	sdelay $0x3  }
0x94: {  	_ =	strace s5  }
0x95: {  	s5 =	sld [smem:$0x3FFC];
	_ =	sdelay $0x3  }
0x96: {  	_ =	strace s5  }
0x97: {  	s5 =	sld [smem:$0x3FFD];
	_ =	sdelay $0x3  }
0x98: {  	_ =	strace s5  }
0x99: {  	_ =	strace $0x8FFFFFFF  }
0x9a: {  	s19 =	sld [smem:$0x3FDB];
	_ =	sdelay $0x1  }
0x9b: {  	s6 =	simm.s32 $_scs_section_size  }
0x9c: {  	s7 =	simm.s32 $_size__tile_overlayer_lowered;
	s8 =	simm.s32 $_tile_overlayer_lowered  }
0x9d: {  	s22 =	simm.s32 $0x1BFF;
	s21 =	sshll.u32 s8, $0x1;
	s5 =	sadd.s32 s6, s19  }
0x9e: {  	s9 =	simm.s32 $0x0;
	s20 =	sshll.u32 s7, $0x1;
	s7 =	sadd.s32 s21, s5  }
0x9f: {  	[timem:s9], [sflag:s22] =	dma.local [hbm:s7], s20  }
0xa0: {  	_ =	swait.ge [sflag:s22], s20  }
0xa1: {  	s6 =	ssub.s32 $0x0, s20;
	[sflag:s22] =	ssyncset.done $0x0  }
0xa2: {  	[sflag:s22] =	ssyncadd.s32 s6;
	_ =	sdelay $0x1  }
0xa3: {  	s23 =	simm.s32 $0x1B8B  }
0xa4: {  	_ =	swait.ge [sflag:s23], $0x1  }
0xa5: {  	[sflag:s23] =	ssyncset.done $0x0  }
0xa6: {  	s25 =	simm.s32 $0x1B8E;
	s24 =	sld [smem:$0x3FFE];
	[sflag:s23] =	ssyncadd.s32 $0xFFFFFFFF  }
0xa7: {  	s26 =	simm.s32 $execute0_lowered;
	[smem:$0x3FD2] =	sst s25  }
0xa8: {  	s7 =	sshll.u32 s26, $0x1;
	_ =	strace $0x80000046;
	[dreg:$0x1] =	wrdreg $0xFFFFFFFF  }
0xa9: {  	s28 =	simm.s32 $_size_execute0_lowered;
	s5 =	sadd.s32 s5, s7;
	[dreg:$0x0] =	wrdreg $0x0  }
0xaa: {  	s7 =	sshll.u32 s28, $0x1;
	[dreg:$0x2] =	wrdreg s5  }
0xab: {  	[dreg:$0x3] =	wrdreg s7  }
0xac: {  	[dreg:$0x4] =	wrdreg $0xC0  }
0xad: {  	_ =	task [dreg:s9], $0x5FFFF  }
0xae: {  	[dreg:$0x1] =	wrdreg $0xFFFFFFFF  }
0xaf: {  	[dreg:$0x0] =	wrdreg $0x60  }
0xb0: {  	[dreg:$0x2] =	wrdreg s2  }
0xb1: {  	[dreg:$0x3] =	wrdreg s18  }
0xb2: {  	[dreg:$0x4] =	wrdreg s24  }
0xb3: {  	[dreg:$0x5] =	wrdreg s4  }
0xb4: {  	[dreg:$0x6] =	wrdreg $0x9  }
0xb5: {  	_ =	task.clear_ibuf [dreg:s9], $0x7FFFF;
	_ =	strace $0x90000046  }
0xb6: {  	s29 =	simm.s32 $0x9;
	_ =	strace $0x80000048  }
0xb7: {  	_ =	swait.ge [sflag:s29], $0x1  }
0xb8: {  	[sflag:s29] =	ssyncadd.s32 $0xFFFFFFFF  }
0xb9: {  	_ =	strace $0x90000048  }
0xba: {  	_ =	sfence  }
0xbb: {  	s30 =	sld [smem:$0x0];
	_ =	sdelay $0x2  }
0xbc: {  	s31 =	sshll.u32 s1, $0xD;
	s1 =	sshrl.u32 s1, $0x2  }
0xbd: {  	s3 =	sand.u32 $0x4000, s31;
	s1 =	sadd.s32 s1, s30  }
0xbe: {  	s0 =	sor.u32 s3, s0;
	s1 =	sshll.u32 s1, $0x11  }
0xbf: {  	s0 =	sor.u32 s1, s0  }
0xc0: {  	s0 =	sadd.s32 $0x8F2B, s0  }
0xc1: {  	[sflag:s0] =	ssyncadd.remote.s32 $0x1  }
0xc2: {  	_ =	sfence.sel $0xFFFF  }
0xc3: {  	[dreg:$0x0] =	wrdreg $0xFFFFFFFF;
	(pc) =	sbr.abs _section_cstart, $3  }
0xc4: {  	[dreg:$0x1] =	wrdreg $0xFFFFFFFF  }
0xc5: {  	_ =	task.clear_ibuf [dreg:s9], $0x2FFFF;
	_ =	strace $0x9FFFFFFF  }
0xc6: {  	(tm) =	ssettm $0x7FFFFFFF  }
0xc7: {  	_ =	shalt  }
tec
execute0_lowered:
.L_overlay_start_1:
0x0: {  	(tag) =	ssettag $0x1  }
0x1: {  	v0 =	vimm.f32 $2.343750000e-01  }
0x2: {  	vm14 =	vcmask $0x300;
	vm13 =	vcmask $0x704;
	vm12 =	vcmask $0xB08  }
0x3: {  	vm11 =	vcmask $0xF0C;
	vm10 =	vcmask $0x1310;
	vm9 =	vcmask $0x1714  }
0x4: {  	vm8 =	vcmask $0x1B18;
	vm7 =	vcmask $0x1F1C;
	vm6 =	vcmask $0x2320  }
0x5: {  	vm5 =	vcmask $0x2724;
	vm4 =	vcmask $0x2B28;
	vm3 =	vcmask $0x2F2C  }
0x6: {  	vm2 =	vcmask $0x3330;
	vm1 =	vcmask $0x3734;
	vm0 =	vcmask $0x3B38  }
0x7: {  	v1 =	vimm.f32 $4.843750000e-01;
	v2 =	vimm.f32 $7.343750000e-01;
	v3 =	vimm.f32 $9.843750000e-01  }
0x8: {  	v0 =	vsel vm14, $0x0, v0;
	v1 =	vsel vm14, $0x3E800000, v1;
	v2 =	vsel vm14, $0x3F000000, v2  }
0x9: {  	v3 =	vsel vm14, $0x3F400000, v3;
	v0 =	vsel vm13, $0x3C800000, v0;
	v1 =	vsel vm13, $0x3E880000, v1  }
0xa: {  	v2 =	vsel vm13, $0x3F040000, v2;
	v3 =	vsel vm13, $0x3F440000, v3;
	v0 =	vsel vm12, $0x3D000000, v0  }
0xb: {  	v1 =	vsel vm12, $0x3E900000, v1;
	v2 =	vsel vm12, $0x3F080000, v2;
	v3 =	vsel vm12, $0x3F480000, v3  }
0xc: {  	v0 =	vsel vm11, $0x3D400000, v0;
	v1 =	vsel vm11, $0x3E980000, v1;
	v2 =	vsel vm11, $0x3F0C0000, v2  }
0xd: {  	s0 =	rddreg [dreg:$0x0];
	v3 =	vsel vm11, $0x3F4C0000, v3;
	v0 =	vsel vm10, $0x3D800000, v0;
	v1 =	vsel vm10, $0x3EA00000, v1  }
0xe: {  	s1 =	rddreg [dreg:$0x2];
	v2 =	vsel vm10, $0x3F100000, v2;
	v3 =	vsel vm10, $0x3F500000, v3;
	v0 =	vsel vm9, $0x3DA00000, v0  }
0xf: {  	s2 =	rddreg [dreg:$0x3];
	s3 =	srdreg.scid;
	s4 =	simm.s32 $0x0;
	v1 =	vsel vm9, $0x3EA80000, v1;
	v2 =	vsel vm9, $0x3F140000, v2;
	v3 =	vsel vm9, $0x3F540000, v3  }
0x10: {  	s5 =	stileid.u32;
	s14 =	simm.s32 $0x200;
	s16 =	simm.s32 $0xC400;
	v0 =	vsel vm8, $0x3DC00000, v0;
	v1 =	vsel vm8, $0x3EB00000, v1;
	v2 =	vsel vm8, $0x3F180000, v2  }
0x11: {  	s17 =	simm.s32 $0x1;
	s18 =	simm.s32 $0x400;
	s19 =	simm.s32 $0x10400;
	v3 =	vsel vm8, $0x3F580000, v3;
	v0 =	vsel vm7, $0x3DE00000, v0;
	v1 =	vsel vm7, $0x3EB80000, v1  }
0x12: {  	s20 =	simm.s32 $0x2;
	s21 =	simm.s32 $0x4;
	s22 =	simm.s32 $0x14400;
	v2 =	vsel vm7, $0x3F1C0000, v2;
	v3 =	vsel vm7, $0x3F5C0000, v3;
	v0 =	vsel vm6, $0x3E000000, v0  }
0x13: {  	s25 =	simm.s32 $0x0;
	s3 =	sand.u32 $0x1, s3;
	[smem:$0x7FF] =	sst s4;
	v1 =	vsel vm6, $0x3EC00000, v1;
	v2 =	vsel vm6, $0x3F200000, v2;
	v3 =	vsel vm6, $0x3F600000, v3  }
0x14: {  	s5 =	sshll.u32 s5, $0xB;
	s1 =	sadd.s32 $0x400, s1;
	s6 =	sshll.u32 s3, $0xA;
	v0 =	vsel vm5, $0x3E100000, v0;
	v1 =	vsel vm5, $0x3EC80000, v1;
	v2 =	vsel vm5, $0x3F240000, v2  }
0x15: {  	_ =	strace $0x80000047;
	s3 =	ssub.s32 $0x2, s3;
	s5 =	sor.u32 s6, s5;
	v3 =	vsel vm5, $0x3F640000, v3;
	v0 =	vsel vm4, $0x3E200000, v0;
	v1 =	vsel vm4, $0x3ED00000, v1  }
0x16: {  	[dreg:$0x5] =	wrdreg s1;
	s28 =	sshrl.u32 s3, $0x1;
	s6 =	sshll.u32 s5, $0x8;
	v2 =	vsel vm4, $0x3F280000, v2;
	v3 =	vsel vm4, $0x3F680000, v3;
	v0 =	vsel vm3, $0x3E300000, v0  }
.Ltmp0:
0x17: {  	s29 =	sshrl.u32 s5, $0x3;
	s7 =	sadd.s32 s0, s6;
	v1 =	vsel vm3, $0x3ED80000, v1;
	v2 =	vsel vm3, $0x3F2C0000, v2;
	v3 =	vsel vm3, $0x3F6C0000, v3;
	(pc) =	sbr.rel .LBB2_1-.Ltmp0, $4  }
0x18: {  	s1 =	ssub.s32 s3, s28;
	s31 =	sor.u32 $0x2, s29;
	[dreg:$0x6] =	wrdreg s7;
	v0 =	vsel vm2, $0x3E400000, v0;
	v1 =	vsel vm2, $0x3EE00000, v1;
	v2 =	vsel vm2, $0x3F300000, v2  }
0x19: {  	s8 =	sadd.s32 s2, s6;
	s1 =	smax.u32 s1, $0x1;
	[dreg:$0x8] =	wrdreg s31;
	v3 =	vsel vm2, $0x3F700000, v3;
	v0 =	vsel vm1, $0x3E500000, v0;
	v1 =	vsel vm1, $0x3EE80000, v1  }
0x1a: {  	s10 =	sor.u32 $0x3, s29;
	s30 =	sadd.s32 $0x800, s7;
	[dreg:$0x9] =	wrdreg s1;
	v2 =	vsel vm1, $0x3F340000, v2;
	v3 =	vsel vm1, $0x3F740000, v3;
	v0 =	vsel vm0, $0x3E600000, v0  }
0x1b: {  	s2 =	simm.s32 $0x0;
	s12 =	sadd.s32 $0x800, s8;
	[dreg:$0x7] =	wrdreg s30;
	v1 =	vsel vm0, $0x3EF00000, v1;
	v2 =	vsel vm0, $0x3F380000, v2;
	v3 =	vsel vm0, $0x3F780000, v3  }
.LBB2_14:
0x1c: {  	s1 =	simm.s32 $0x3  }
0x1d: {  	_ =	swait.ge [sflag:s1], $0x4000  }
0x1e: {  	[sflag:s1] =	ssyncset.done $0x0  }
0x1f: {  	[sflag:s1] =	ssyncadd.s32 $0xFFFFC000  }
0x20: {  	_ =	swait.ge [sflag:s21], $0x4000  }
0x21: {  	s2 =	rddreg [dreg:$0xa]  }
0x22: {  	s31 =	rddreg [dreg:$0x9];
	s2 =	sadd.s32 $0x1, s2  }
0x23: {  	p0 =	sne.s32 s2, s31  }
.Ltmp1:
0x24: {  	_ = 	snop;
	(pc) =	sbr.rel @!p0 .LBB2_15-.Ltmp1, $3  }
0x25: {  	_ =	sdelay $0x1  }
0x26: {  	[sflag:s21] =	ssyncset.done $0x0  }
0x27: {  	[sflag:s21] =	ssyncadd.s32 $0xFFFFC000  }
.LBB2_1:
0x28: {  	[dreg:$0xa] =	wrdreg s2  }
0x29: {  	s1 =	rddreg [dreg:$0x1];
	s2 =	simm.s32 $0x10;
	s3 =	simm.s32 $0x5  }
0x2a: {  	v4 =	vmov s4;
	[tilespmem:s4], [sflag:$0x5] =	stream.linear.gather [hbm4b:s1+s4], $0x200, $0x38;
	[tilespmem:$0x18400] =	vst v63  }
0x2b: {  	s5 =	simm.s32 $0x30;
	v4 =	vshra.s32 v4, $0x6;
	v5 =	vmov s2;
	_ =	swait.ge [sflag:s3], $0x200  }
0x2c: {  	s6 =	simm.s32 $0x20;
	v6 =	vmov s5;
	v4 =	vbroadcast v4, $0x0;
	v5 =	vshra.s32 v5, $0x6;
	[sflag:s3] =	ssyncset.done $0x0  }
0x2d: {  	v7 =	vmov s6;
	v6 =	vshra.s32 v6, $0x6;
	v5 =	vbroadcast v5, $0x0;
	s7 =	rddreg [dreg:$0x5];
	[sflag:s3] =	ssyncadd.s32 $0xFFFFFE00  }
0x2e: {  	v7 =	vshra.s32 v7, $0x6;
	v6 =	vbroadcast v6, $0x0;
	[tilespmem:s14], [sflag:$0x5] =	stream.linear.gather [hbm4b:s7+s4], $0x200, $0x38;
	[tilespmem:$0x18400] =	vst v63  }
0x2f: {  	v7 =	vbroadcast v7, $0x0;
	_ =	swait.ge [sflag:s3], $0x200  }
0x30: {  	s9 =	simm.s32 $0x40;
	[sflag:s3] =	ssyncset.done $0x0  }
0x31: {  	s11 =	simm.s32 $0x50;
	v8 =	vmov s9;
	[sflag:s3] =	ssyncadd.s32 $0xFFFFFE00  }
0x32: {  	s13 =	simm.s32 $0x70;
	v10 =	vmov s11;
	v8 =	vshra.s32 v8, $0x6;
	v9 =	vld.idx.msk [tilespmem:v4+s14+$0x0], $0xffff  }
0x33: {  	v13 =	vbroadcast v8, $0x0;
	v8 =	vshra.s32 v10, $0x6;
	v10 =	vmov s13;
	v11 =	vld.idx.msk [tilespmem:v5+s14+$0x0], $0xffff  }
0x34: {  	v14 =	vbroadcast v8, $0x0;
	v10 =	vshra.s32 v10, $0x6;
	v12 =	vld.idx.msk [tilespmem:v6+s14+$0x0], $0xffff  }
0x35: {  	s15 =	simm.s32 $0x60;
	v10 =	vbroadcast v10, $0x0;
	v15 =	vld.idx.msk [tilespmem:v7+s14+$0x0], $0xffff  }
0x36: {  	v8 =	vmov s15;
	v16 =	vld.idx.msk [tilespmem:v6+s4+$0x0], $0xffff  }
0x37: {  	v8 =	vshra.s32 v8, $0x6;
	v5 =	vld.idx.msk [tilespmem:v5+s4+$0x0], $0xffff  }
0x38: {  	s23 =	simm.s32 $0x80;
	s28 =	simm.s32 $0xB0;
	v18 =	vbroadcast v8, $0x0;
	v17 =	vld.idx.msk [tilespmem:v7+s4+$0x0], $0xffff  }
0x39: {  	s24 =	simm.s32 $0x90;
	v22 =	vmov s28;
	v19 =	vld.idx.msk [tilespmem:v4+s4+$0x0], $0xffff;
	v4 =	vmov s23  }
0x3a: {  	v22 =	vshra.s32 v22, $0x6;
	v6 =	vmov s24;
	v4 =	vshra.s32 v4, $0x6;
	v20 =	vld.idx.msk [tilespmem:v14+s14+$0x0], $0xffff  }
0x3b: {  	s26 =	simm.s32 $0xA0;
	v6 =	vshra.s32 v6, $0x6;
	v4 =	vbroadcast v4, $0x0;
	v21 =	vld.idx.msk [tilespmem:v10+s14+$0x0], $0xffff;
	v8 =	vmul.f32 v3, v12  }
0x3c: {  	v12 =	vmov s26;
	v11 =	vmul.f32 v1, v11;
	v23 =	vmul.f32 v0, v9;
	v9 =	vld.idx.msk [tilespmem:v10+s4+$0x0], $0xffff  }
0x3d: {  	v6 =	vbroadcast v6, $0x0;
	v15 =	vmul.f32 v2, v15;
	v10 =	vshra.s32 v12, $0x6;
	v12 =	vld.idx.msk [tilespmem:v14+s4+$0x0], $0xffff  }
0x3e: {  	v14 =	vld.idx.msk [tilespmem:v18+s4+$0x0], $0xffff;
	v16 =	vadd.f32 v8, v16;
	v5 =	vadd.f32 v11, v5;
	v11 =	vbroadcast v22, $0x0  }
0x3f: {  	s29 =	simm.s32 $0xC0;
	s1 =	simm.s32 $0x420;
	v8 =	vld.idx.msk [tilespmem:v18+s14+$0x0], $0xffff;
	v15 =	vadd.f32 v15, v17;
	v17 =	vbroadcast v10, $0x0;
	v18 =	vadd.f32 v23, v19  }
0x40: {  	s30 =	simm.s32 $0xD0;
	v7 =	vld.idx.msk [tilespmem:v13+s14+$0x0], $0xffff;
	v10 =	vmov s29;
	[tilespmem:s1+$0x10] =	vst v16  }
0x41: {  	[tilespmem:s1+$0xFFFFFFF0] =	vst v5;
	v5 =	vshra.s32 v10, $0x6;
	v10 =	vmov s30;
	v16 =	vld.idx.msk [tilespmem:v13+s4+$0x0], $0xffff  }
0x42: {  	s31 =	simm.s32 $0xE0;
	v20 =	vmul.f32 v1, v20;
	v19 =	vmul.f32 v3, v21;
	[tilespmem:s1+$0x0] =	vst v15;
	v13 =	vld.idx.msk [tilespmem:v4+s14+$0x0], $0xffff;
	v10 =	vshra.s32 v10, $0x6  }
0x43: {  	s2 =	simm.s32 $0x100;
	s3 =	simm.s32 $0xF0;
	v21 =	vmov s31;
	[tilespmem:s1+$0xFFFFFFE0] =	vst v18;
	v15 =	vld.idx.msk [tilespmem:v6+s14+$0x0], $0xffff;
	v5 =	vbroadcast v5, $0x0;
	v10 =	vbroadcast v10, $0x0;
	v18 =	vmovc v17  }
.LBB2_2:
0x44: {  	p0 =	slt.u32 s2, $0x7FC0;
	v22 =	vmov s3;
	v23 =	vld.idx.msk [tilespmem:v11+s14+$0x0], $0xffff;
	v24 =	vmul.f32 v2, v8;
	v19 =	vadd.f32 v19, v9  }
0x45: {  	v25 =	vmul.f32 v0, v7;
	s1 =	sadd.s32 $0x40, s1;
	v22 =	vshra.s32 v22, $0x6;
	v8 =	vld.idx.msk [tilespmem:v17+s14+$0x0], $0xffff;
	v20 =	vadd.f32 v20, v12  }
0x46: {  	v12 =	vshra.s32 v21, $0x6;
	v9 =	vld.idx.msk [tilespmem:v11+s4+$0x0], $0xffff;
	v11 =	vbroadcast v22, $0x0;
	v21 =	vadd.f32 v24, v14;
	[tilespmem:s1+$0x10] =	vst v19  }
.Ltmp2:
0x47: {  	v17 =	vbroadcast v12, $0x0;
	v19 =	vadd.f32 v25, v16;
	v12 =	vld.idx.msk [tilespmem:v6+s4+$0x0], $0xffff;
	[tilespmem:s1+$0xFFFFFFF0] =	vst v20;
	v6 =	vmov v10;
	(pc) =	sbr.rel @p0 .LBB2_2-.Ltmp2, $4  }
0x48: {  	s3 =	sadd.s32 $0x10, s2;
	v16 =	vmov s2;
	v7 =	vmov v13;
	v14 =	vld.idx.msk [tilespmem:v18+s4+$0x0], $0xffff;
	[tilespmem:s1+$0x0] =	vst v21  }
0x49: {  	v20 =	vshra.s32 v16, $0x6;
	v13 =	vmov s3;
	v18 =	vmovc v17;
	v16 =	vld.idx.msk [tilespmem:v4+s4+$0x0], $0xffff;
	[tilespmem:s1+$0xFFFFFFE0] =	vst v19;
	v4 =	vmov v5  }
0x4a: {  	s3 =	sadd.s32 $0x20, s2;
	v22 =	vshra.s32 v13, $0x6;
	v19 =	vmul.f32 v3, v23;
	v13 =	vld.idx.msk [tilespmem:v5+s14+$0x0], $0xffff;
	v5 =	vbroadcast v20, $0x0  }
0x4b: {  	v21 =	vmov s3;
	s3 =	sadd.s32 $0x30, s2;
	s2 =	sadd.s32 $0x40, s2;
	v20 =	vmul.f32 v1, v15;
	v15 =	vld.idx.msk [tilespmem:v10+s14+$0x0], $0xffff;
	v10 =	vbroadcast v22, $0x0  }
0x4c: {  	_ =	sdelay $0x3  }
0x4d: {  	v23 =	vld.idx.msk [tilespmem:v11+s14+$0x0], $0xffff  }
0x4e: {  	v17 =	vld.idx.msk [tilespmem:v17+s14+$0x0], $0xffff  }
0x4f: {  	v49 =	vld.idx.msk [tilespmem:v11+s4+$0x0], $0xffff  }
0x50: {  	v22 =	vmov s3;
	v21 =	vshra.s32 v21, $0x6;
	v6 =	vld.idx.msk [tilespmem:v6+s4+$0x0], $0xffff  }
0x51: {  	v18 =	vld.idx.msk [tilespmem:v18+s4+$0x0], $0xffff;
	v22 =	vshra.s32 v22, $0x6;
	v21 =	vbroadcast v21, $0x0  }
0x52: {  	v4 =	vld.idx.msk [tilespmem:v4+s4+$0x0], $0xffff;
	v22 =	vbroadcast v22, $0x0  }
0x53: {  	v24 =	vld.idx.msk [tilespmem:v5+s14+$0x0], $0xffff  }
0x54: {  	v8 =	vmul.f32 v2, v8;
	v9 =	vadd.f32 v19, v9;
	v5 =	vld.idx.msk [tilespmem:v5+s4+$0x0], $0xffff  }
0x55: {  	v7 =	vmul.f32 v0, v7;
	s1 =	sadd.s32 $0x40, s1;
	v50 =	vld.idx.msk [tilespmem:v10+s14+$0x0], $0xffff;
	v12 =	vadd.f32 v20, v12  }
0x56: {  	v57 =	vld.idx.msk [tilespmem:v10+s4+$0x0], $0xffff;
	v8 =	vadd.f32 v8, v14;
	[tilespmem:s1+$0x10] =	vst v9;
	v58 =	vmul.f32 v0, v13  }
0x57: {  	v7 =	vadd.f32 v7, v16;
	[tilespmem:s1+$0xFFFFFFF0] =	vst v12;
	v54 =	vmul.f32 v1, v15;
	v53 =	vld.idx.msk [tilespmem:v21+s14+$0x0], $0xffff  }
0x58: {  	[tilespmem:s1+$0x0] =	vst v8;
	v52 =	vmul.f32 v3, v23;
	v4 =	vadd.f32 v58, v4;
	v51 =	vld.idx.msk [tilespmem:v22+s14+$0x0], $0xffff  }
0x59: {  	[tilespmem:s1+$0xFFFFFFE0] =	vst v7;
	s1 =	sadd.s32 $0x40, s1;
	v56 =	vmul.f32 v2, v17;
	v6 =	vadd.f32 v54, v6;
	v59 =	vld.idx.msk [tilespmem:v21+s4+$0x0], $0xffff  }
0x5a: {  	v61 =	vmul.f32 v1, v50;
	v9 =	vadd.f32 v52, v49;
	[tilespmem:s1+$0xFFFFFFE0] =	vst v4;
	v55 =	vld.idx.msk [tilespmem:v22+s4+$0x0], $0xffff  }
0x5b: {  	v8 =	vadd.f32 v56, v18;
	v4 =	vmul.f32 v0, v24;
	[tilespmem:s1+$0xFFFFFFF0] =	vst v6  }
0x5c: {  	v6 =	vadd.f32 v61, v57;
	[tilespmem:s1+$0x10] =	vst v9;
	v62 =	vmul.f32 v2, v53  }
0x5d: {  	[tilespmem:s1+$0x0] =	vst v8;
	s1 =	sadd.s32 $0x40, s1;
	v4 =	vadd.f32 v4, v5;
	v60 =	vmul.f32 v3, v51  }
0x5e: {  	[tilespmem:s1+$0xFFFFFFF0] =	vst v6;
	v7 =	vadd.f32 v62, v59  }
0x5f: {  	[tilespmem:s1+$0xFFFFFFE0] =	vst v4;
	v63 =	vadd.f32 v60, v55  }
0x60: {  	[tilespmem:s1+$0x0] =	vst v7  }
0x61: {  	[tilespmem:s1+$0x10] =	vst v63  }
0x62: {  	s2 =	simm.s32 $0x8400;
	s1 =	rddreg [dreg:$0x6]  }
0x63: {  	[tilespmem:s2], [sflag:$0x1] =	stream.linear.gather [hbm4b:s1+s25], $0x4000, $0x38;
	[tilespmem:$0x18400] =	vst v63  }
0x64: {  	s26 =	simm.s32 $0x0;
	s31 =	rddreg [dreg:$0x7]  }
0x65: {  	[tilespmem:s16], [sflag:$0x2] =	stream.linear.gather [hbm4b:s31+s25], $0x4000, $0x38;
	[tilespmem:$0x18400] =	vst v63  }
.LBB2_4:
0x66: {  	_ =	swait.ge [sflag:s17], $0x4000  }
0x67: {  	p0 =	seq.s32 s26, $0x0;
	[sflag:s17] =	ssyncset.done $0x0  }
0x68: {  	s2 =	sand.u32 $0x3, s25;
	s1 =	simm.s32 @!p0 $0x3;
	[sflag:s17] =	ssyncadd.s32 $0xFFFFC000  }
0x69: {  	s2 =	sshll.u32 s2, $0xC;
	_ =	swait.ge @!p0 [sflag:s1], $0x4000  }
0x6a: {  	s2 =	sadd.s32 $0x0, s2;
	[sflag:s1] =	ssyncset.done @!p0 $0x0  }
0x6b: {  	s13 =	sor.u32 $0xC70, s2;
	[sflag:s1] =	ssyncadd.s32 @!p0 $0xFFFFC000  }
0x6c: {  	s11 =	sor.u32 $0x60, s2;
	v4 =	vld [tilespmem:s13+$0x8400]  }
0x6d: {  	s7 =	sor.u32 $0x70, s2;
	v5 =	vld [tilespmem:s11+$0x8400]  }
0x6e: {  	s6 =	sor.u32 $0x460, s2;
	v6 =	vld [tilespmem:s7+$0x8400]  }
0x6f: {  	s5 =	sor.u32 $0x470, s2;
	v7 =	vld [tilespmem:s6+$0x8400]  }
0x70: {  	s3 =	sor.u32 $0x860, s2;
	v8 =	vld [tilespmem:s5+$0x8400]  }
0x71: {  	s24 =	sor.u32 $0x870, s2;
	v9 =	vld [tilespmem:s3+$0x8400]  }
0x72: {  	s15 =	sand.u32 $0x3000, s25;
	s23 =	sand.u32 $0x380, s25;
	s2 =	sor.u32 $0xC60, s2;
	v10 =	vld [tilespmem:s24+$0x8400]  }
0x73: {  	s30 =	sor.u32 s23, s15;
	v11 =	vld [tilespmem:s2+$0x8400]  }
0x74: {  	v12 =	vld [tilespmem:s30+$0x8400]  }
0x75: {  	v13 =	vld [tilespmem:s30+$0x8410]  }
0x76: {  	v14 =	vld [tilespmem:s30+$0x8420]  }
0x77: {  	v15 =	vld [tilespmem:s30+$0x8430]  }
0x78: {  	v16 =	vld [tilespmem:s30+$0x8440]  }
0x79: {  	v17 =	vld [tilespmem:s30+$0x8450]  }
0x7a: {  	v18 =	vld [tilespmem:s30+$0x8800]  }
0x7b: {  	v19 =	vld [tilespmem:s30+$0x8810]  }
0x7c: {  	v20 =	vld [tilespmem:s30+$0x8820]  }
0x7d: {  	v21 =	vld [tilespmem:s30+$0x8830]  }
0x7e: {  	v22 =	vld [tilespmem:s30+$0x8840]  }
0x7f: {  	v23 =	vld [tilespmem:s30+$0x8850]  }
0x80: {  	v24 =	vld [tilespmem:s30+$0x8C00]  }
0x81: {  	v25 =	vld [tilespmem:s30+$0x8C10]  }
0x82: {  	v26 =	vld [tilespmem:s30+$0x8C20];
	v4 =	vmul.f32 $5.215188960e+03, v4  }
0x83: {  	v27 =	vld [tilespmem:s30+$0x8C30];
	v5 =	vmul.f32 $5.215188960e+03, v5  }
0x84: {  	v28 =	vld [tilespmem:s30+$0x8C40];
	v6 =	vmul.f32 $5.215188960e+03, v6;
	v4 =	vadd.f32 $1.258291200e+07, v4  }
0x85: {  	v29 =	vld [tilespmem:s30+$0x8C50];
	v7 =	vmul.f32 $5.215188960e+03, v7;
	v5 =	vadd.f32 $1.258291200e+07, v5  }
0x86: {  	v30 =	vld [tilespmem:s30+$0x9000];
	v8 =	vmul.f32 $5.215188960e+03, v8;
	v6 =	vadd.f32 $1.258291200e+07, v6;
	v4 =	vand.u32 $0x7FFF, v4  }
0x87: {  	v31 =	vld [tilespmem:s30+$0x9010];
	v9 =	vmul.f32 $5.215188960e+03, v9;
	v7 =	vadd.f32 $1.258291200e+07, v7;
	v5 =	vand.u32 $0x7FFF, v5  }
0x88: {  	v32 =	vld [tilespmem:s30+$0x9020];
	v10 =	vmul.f32 $5.215188960e+03, v10;
	v8 =	vadd.f32 $1.258291200e+07, v8;
	v6 =	vand.u32 $0x7FFF, v6  }
0x89: {  	v33 =	vld [tilespmem:s30+$0x9030];
	v12 =	vmul.f32 $5.215188960e+03, v12;
	v9 =	vadd.f32 $1.258291200e+07, v9;
	v7 =	vand.u32 $0x7FFF, v7  }
0x8a: {  	v34 =	vld [tilespmem:s30+$0x9040];
	v11 =	vmul.f32 $5.215188960e+03, v11;
	v10 =	vadd.f32 $1.258291200e+07, v10;
	v8 =	vand.u32 $0x7FFF, v8  }
0x8b: {  	v13 =	vmul.f32 $5.215188960e+03, v13;
	v12 =	vadd.f32 $1.258291200e+07, v12;
	v9 =	vand.u32 $0x7FFF, v9;
	v4 =	vld.idx.msk [tilespmem:v4+s18+$0x0], $0xffff  }
0x8c: {  	v14 =	vmul.f32 $5.215188960e+03, v14;
	v11 =	vadd.f32 $1.258291200e+07, v11;
	v10 =	vand.u32 $0x7FFF, v10;
	v5 =	vld.idx.msk [tilespmem:v5+s18+$0x0], $0xffff  }
0x8d: {  	v15 =	vmul.f32 $5.215188960e+03, v15;
	v13 =	vadd.f32 $1.258291200e+07, v13;
	v12 =	vand.u32 $0x7FFF, v12;
	v6 =	vld.idx.msk [tilespmem:v6+s18+$0x0], $0xffff  }
0x8e: {  	v17 =	vmul.f32 $5.215188960e+03, v17;
	v18 =	vmul.f32 $5.215188960e+03, v18;
	v11 =	vand.u32 $0x7FFF, v11;
	v7 =	vld.idx.msk [tilespmem:v7+s18+$0x0], $0xffff  }
0x8f: {  	v14 =	vadd.f32 $1.258291200e+07, v14;
	v15 =	vadd.f32 $1.258291200e+07, v15;
	v13 =	vand.u32 $0x7FFF, v13;
	v8 =	vld.idx.msk [tilespmem:v8+s18+$0x0], $0xffff  }
0x90: {  	v40 =	vmul.f32 $5.215188960e+03, v19;
	v41 =	vmul.f32 $5.215188960e+03, v20;
	v18 =	vadd.f32 $1.258291200e+07, v18;
	v9 =	vld.idx.msk [tilespmem:v9+s18+$0x0], $0xffff  }
0x91: {  	v14 =	vand.u32 $0x7FFF, v14;
	v10 =	vld.idx.msk [tilespmem:v10+s18+$0x0], $0xffff;
	[tilespmem:s13+$0x10400] =	vst v4;
	v4 =	vand.u32 $0x7FFF, v15;
	v15 =	vadd.f32 $1.258291200e+07, v17  }
0x92: {  	v42 =	vmul.f32 $5.215188960e+03, v21;
	v43 =	vadd.f32 $1.258291200e+07, v41;
	v12 =	vld.idx.msk [tilespmem:v12+s18+$0x0], $0xffff;
	[tilespmem:s11+$0x10400] =	vst v5  }
0x93: {  	v5 =	vld.idx.msk [tilespmem:v11+s18+$0x0], $0xffff;
	[tilespmem:s7+$0x10400] =	vst v6;
	v6 =	vand.u32 $0x7FFF, v18;
	v11 =	vand.u32 $0x7FFF, v15;
	v15 =	vadd.f32 $1.258291200e+07, v40  }
0x94: {  	v16 =	vmul.f32 $5.215188960e+03, v16;
	v13 =	vld.idx.msk [tilespmem:v13+s18+$0x0], $0xffff;
	[tilespmem:s5+$0x10400] =	vst v8;
	v8 =	vand.u32 $0x7FFF, v43  }
0x95: {  	v35 =	vld [tilespmem:s30+$0x9050];
	v44 =	vmul.f32 $5.215188960e+03, v22;
	[tilespmem:s6+$0x10400] =	vst v7;
	v7 =	vand.u32 $0x7FFF, v15;
	v15 =	vadd.f32 $1.258291200e+07, v42  }
0x96: {  	v45 =	vmul.f32 $5.215188960e+03, v23;
	v47 =	vmul.f32 $5.215188960e+03, v24;
	v16 =	vadd.f32 $1.258291200e+07, v16;
	v14 =	vld.idx.msk [tilespmem:v14+s18+$0x0], $0xffff;
	[tilespmem:s3+$0x10400] =	vst v9  }
0x97: {  	v48 =	vmul.f32 $5.215188960e+03, v25;
	v46 =	vadd.f32 $1.258291200e+07, v44;
	[tilespmem:s24+$0x10400] =	vst v10;
	v4 =	vld.idx.msk [tilespmem:v4+s18+$0x0], $0xffff;
	v9 =	vand.u32 $0x7FFF, v15  }
0x98: {  	v49 =	vadd.f32 $1.258291200e+07, v47;
	v16 =	vand.u32 $0x7FFF, v16;
	[tilespmem:s30+$0x10400] =	vst v12;
	v6 =	vld.idx.msk [tilespmem:v6+s18+$0x0], $0xffff;
	v15 =	vadd.f32 $1.258291200e+07, v45  }
0x99: {  	v50 =	vmul.f32 $5.215188960e+03, v26;
	v56 =	vmul.f32 $5.215188960e+03, v30;
	v10 =	vand.u32 $0x7FFF, v46;
	[tilespmem:s30+$0x10410] =	vst v13;
	v8 =	vld.idx.msk [tilespmem:v8+s18+$0x0], $0xffff  }
0x9a: {  	v12 =	vand.u32 $0x7FFF, v49;
	[tilespmem:s2+$0x10400] =	vst v5;
	v5 =	vand.u32 $0x7FFF, v15;
	v15 =	vadd.f32 $1.258291200e+07, v48;
	v7 =	vld.idx.msk [tilespmem:v7+s18+$0x0], $0xffff  }
0x9b: {  	v51 =	vmul.f32 $5.215188960e+03, v27;
	v52 =	vadd.f32 $1.258291200e+07, v50;
	[tilespmem:s30+$0x10420] =	vst v14;
	v11 =	vld.idx.msk [tilespmem:v11+s18+$0x0], $0xffff  }
0x9c: {  	v53 =	vmul.f32 $5.215188960e+03, v28;
	v59 =	vadd.f32 $1.258291200e+07, v56;
	v13 =	vand.u32 $0x7FFF, v15;
	[tilespmem:s30+$0x10430] =	vst v4;
	v4 =	vld.idx.msk [tilespmem:v9+s18+$0x0], $0xffff  }
0x9d: {  	v54 =	vmul.f32 $5.215188960e+03, v29;
	v16 =	vld.idx.msk [tilespmem:v16+s18+$0x0], $0xffff;
	v14 =	vand.u32 $0x7FFF, v52;
	v15 =	vadd.f32 $1.258291200e+07, v51;
	[tilespmem:s30+$0x10800] =	vst v6  }
0x9e: {  	v57 =	vmul.f32 $5.215188960e+03, v31;
	v55 =	vadd.f32 $1.258291200e+07, v53;
	v60 =	vand.u32 $0x7FFF, v59;
	v10 =	vld.idx.msk [tilespmem:v10+s18+$0x0], $0xffff;
	[tilespmem:s30+$0x10820] =	vst v8  }
0x9f: {  	v6 =	vld.idx.msk [tilespmem:v12+s18+$0x0], $0xffff;
	v9 =	vand.u32 $0x7FFF, v15;
	v15 =	vadd.f32 $1.258291200e+07, v54;
	[tilespmem:s30+$0x10810] =	vst v7;
	v7 =	vmul.f32 $5.215188960e+03, v32  }
0xa0: {  	v62 =	vmul.f32 $5.215188960e+03, v33;
	v58 =	vand.u32 $0x7FFF, v55;
	[tilespmem:s30+$0x10450] =	vst v11;
	v11 =	vadd.f32 $1.258291200e+07, v57;
	v5 =	vld.idx.msk [tilespmem:v5+s18+$0x0], $0xffff  }
0xa1: {  	v8 =	vmul.f32 $5.215188960e+03, v34;
	v15 =	vand.u32 $0x7FFF, v15;
	v61 =	vld.idx.msk [tilespmem:v13+s18+$0x0], $0xffff;
	[tilespmem:s30+$0x10830] =	vst v4;
	v4 =	vadd.f32 $1.258291200e+07, v7  }
0xa2: {  	v19 =	vadd.f32 $1.258291200e+07, v62;
	v63 =	vand.u32 $0x7FFF, v11;
	v13 =	vld.idx.msk [tilespmem:v14+s18+$0x0], $0xffff;
	v14 =	vmul.f32 $5.215188960e+03, v35  }
0xa3: {  	[tilespmem:s30+$0x10840] =	vst v10;
	v10 =	vadd.f32 $1.258291200e+07, v8;
	v8 =	vld.idx.msk [tilespmem:v60+s18+$0x0], $0xffff;
	v7 =	vand.u32 $0x7FFF, v4  }
0xa4: {  	[tilespmem:s30+$0x10C00] =	vst v6;
	v6 =	vand.u32 $0x7FFF, v19;
	v12 =	vld.idx.msk [tilespmem:v9+s18+$0x0], $0xffff;
	v14 =	vadd.f32 $1.258291200e+07, v14  }
0xa5: {  	v11 =	vld.idx.msk [tilespmem:v58+s18+$0x0], $0xffff;
	[tilespmem:s30+$0x10850] =	vst v5;
	v5 =	vand.u32 $0x7FFF, v10  }
0xa6: {  	s28 =	sshll.u32 s26, $0x1;
	s29 =	simm.s32 $0x0;
	[tilespmem:s30+$0x10440] =	vst v16;
	v9 =	vld.idx.msk [tilespmem:v15+s18+$0x0], $0xffff;
	v4 =	vand.u32 $0x7FFF, v14  }
0xa7: {  	s31 =	simm.s32 $0x0;
	s3 =	simm.s32 $0x0;
	s2 =	simm.s32 $0x1;
	v10 =	vld.idx.msk [tilespmem:v63+s18+$0x0], $0xffff;
	[tilespmem:s30+$0x10C10] =	vst v61  }
.LBB2_5:
0xa8: {  	s1 =	sand.u32 $0x3, s2;
	s29 =	sadd.s32 $0x200, s29;
	[tilespmem:s30+$0x10C20] =	vst v13;
	v7 =	vld.idx.msk [tilespmem:v7+s18+$0x0], $0xffff;
	s31 =	sadd.s32 $0x1000, s31  }
0xa9: {  	s3 =	sadd.s32 $0x20, s3;
	s1 =	sshll.u32 s1, $0xC;
	p1 =	slt.u32 s29, $0x3E00;
	[tilespmem:s30+$0x10C30] =	vst v12;
	v6 =	vld.idx.msk [tilespmem:v6+s18+$0x0], $0xffff  }
0xaa: {  	s11 =	sand.u32 $0x3000, s31;
	s15 =	sand.u32 $0x380, s3;
	s5 =	sadd.s32 s1, s3;
	[tilespmem:s30+$0x10C40] =	vst v11;
	v5 =	vld.idx.msk [tilespmem:v5+s18+$0x0], $0xffff  }
0xab: {  	s13 =	sor.u32 $0x60, s5;
	s6 =	sor.u32 $0x70, s5;
	s24 =	sor.u32 $0xC70, s5;
	[tilespmem:s30+$0x10C50] =	vst v9;
	v4 =	vld.idx.msk [tilespmem:v4+s18+$0x0], $0xffff  }
0xac: {  	s23 =	sor.u32 $0x460, s5;
	s7 =	sor.u32 $0x470, s5;
	s1 =	sor.u32 $0x860, s5;
	v9 =	vld [tilespmem:s24+$0x8400];
	[tilespmem:s30+$0x11000] =	vst v8  }
0xad: {  	s15 =	sor.u32 s15, s11;
	s11 =	sor.u32 $0x870, s5;
	s5 =	sor.u32 $0xC60, s5;
	v8 =	vld [tilespmem:s13+$0x8400];
	[tilespmem:s30+$0x11010] =	vst v10  }
0xae: {  	v10 =	vld [tilespmem:s6+$0x8400];
	[tilespmem:s30+$0x11020] =	vst v7  }
0xaf: {  	v7 =	vld [tilespmem:s23+$0x8400];
	[tilespmem:s30+$0x11030] =	vst v6  }
0xb0: {  	v6 =	vld [tilespmem:s7+$0x8400];
	[tilespmem:s30+$0x11040] =	vst v5  }
0xb1: {  	v5 =	vld [tilespmem:s1+$0x8400];
	v9 =	vmul.f32 $5.215188960e+03, v9;
	[tilespmem:s30+$0x11050] =	vst v4;
	s30 =	smov.u32 s15  }
0xb2: {  	v4 =	vmul.f32 $5.215188960e+03, v8;
	v8 =	vld [tilespmem:s11+$0x8400]  }
0xb3: {  	v10 =	vmul.f32 $5.215188960e+03, v10;
	v11 =	vld [tilespmem:s5+$0x8400];
	v9 =	vadd.f32 $1.258291200e+07, v9  }
0xb4: {  	v12 =	vld [tilespmem:s30+$0x8400];
	v4 =	vadd.f32 $1.258291200e+07, v4;
	v7 =	vmul.f32 $5.215188960e+03, v7  }
0xb5: {  	v13 =	vld [tilespmem:s30+$0x8410];
	v10 =	vadd.f32 $1.258291200e+07, v10;
	v6 =	vmul.f32 $5.215188960e+03, v6;
	v9 =	vand.u32 $0x7FFF, v9  }
0xb6: {  	v14 =	vld [tilespmem:s30+$0x8420];
	v4 =	vand.u32 $0x7FFF, v4;
	v7 =	vadd.f32 $1.258291200e+07, v7;
	v5 =	vmul.f32 $5.215188960e+03, v5  }
0xb7: {  	v15 =	vld [tilespmem:s30+$0x8430];
	v10 =	vand.u32 $0x7FFF, v10;
	v6 =	vadd.f32 $1.258291200e+07, v6;
	v8 =	vmul.f32 $5.215188960e+03, v8  }
0xb8: {  	v16 =	vld [tilespmem:s30+$0x8440];
	v7 =	vand.u32 $0x7FFF, v7;
	v5 =	vadd.f32 $1.258291200e+07, v5;
	v11 =	vmul.f32 $5.215188960e+03, v11  }
0xb9: {  	v12 =	vmul.f32 $5.215188960e+03, v12;
	v17 =	vld [tilespmem:s30+$0x8450];
	v6 =	vand.u32 $0x7FFF, v6;
	v8 =	vadd.f32 $1.258291200e+07, v8  }
0xba: {  	v13 =	vmul.f32 $5.215188960e+03, v13;
	v5 =	vand.u32 $0x7FFF, v5;
	v11 =	vadd.f32 $1.258291200e+07, v11;
	v9 =	vld.idx.msk [tilespmem:v9+s18+$0x0], $0xffff  }
0xbb: {  	v12 =	vadd.f32 $1.258291200e+07, v12;
	v14 =	vmul.f32 $5.215188960e+03, v14;
	v18 =	vld [tilespmem:s30+$0x8800];
	v8 =	vand.u32 $0x7FFF, v8  }
0xbc: {  	v13 =	vadd.f32 $1.258291200e+07, v13;
	v15 =	vmul.f32 $5.215188960e+03, v15;
	v19 =	vld [tilespmem:s30+$0x8810];
	v11 =	vand.u32 $0x7FFF, v11  }
0xbd: {  	v12 =	vand.u32 $0x7FFF, v12;
	v14 =	vadd.f32 $1.258291200e+07, v14;
	v16 =	vmul.f32 $5.215188960e+03, v16;
	v20 =	vld [tilespmem:s30+$0x8820]  }
0xbe: {  	v13 =	vand.u32 $0x7FFF, v13;
	v15 =	vadd.f32 $1.258291200e+07, v15;
	v17 =	vmul.f32 $5.215188960e+03, v17;
	v21 =	vld [tilespmem:s30+$0x8830]  }
0xbf: {  	v14 =	vand.u32 $0x7FFF, v14;
	v16 =	vadd.f32 $1.258291200e+07, v16;
	v22 =	vld [tilespmem:s30+$0x8840]  }
0xc0: {  	v15 =	vand.u32 $0x7FFF, v15;
	v17 =	vadd.f32 $1.258291200e+07, v17;
	v18 =	vmul.f32 $5.215188960e+03, v18;
	v23 =	vld [tilespmem:s30+$0x8850];
	[tilespmem:s24+$0x10400] =	vst v9  }
0xc1: {  	v9 =	vand.u32 $0x7FFF, v16;
	v16 =	vmul.f32 $5.215188960e+03, v19;
	v19 =	vld [tilespmem:s30+$0x8C00]  }
0xc2: {  	v17 =	vand.u32 $0x7FFF, v17;
	v18 =	vadd.f32 $1.258291200e+07, v18;
	v20 =	vmul.f32 $5.215188960e+03, v20;
	v24 =	vld [tilespmem:s30+$0x8C10]  }
0xc3: {  	v16 =	vadd.f32 $1.258291200e+07, v16;
	v21 =	vmul.f32 $5.215188960e+03, v21;
	v25 =	vld [tilespmem:s30+$0x8C20]  }
0xc4: {  	v18 =	vand.u32 $0x7FFF, v18;
	v20 =	vadd.f32 $1.258291200e+07, v20;
	v22 =	vmul.f32 $5.215188960e+03, v22;
	v26 =	vld [tilespmem:s30+$0x8C30]  }
0xc5: {  	v16 =	vand.u32 $0x7FFF, v16;
	v21 =	vadd.f32 $1.258291200e+07, v21;
	v23 =	vmul.f32 $5.215188960e+03, v23;
	v27 =	vld [tilespmem:s30+$0x8C40]  }
0xc6: {  	v20 =	vand.u32 $0x7FFF, v20;
	v22 =	vadd.f32 $1.258291200e+07, v22;
	v19 =	vmul.f32 $5.215188960e+03, v19;
	v28 =	vld [tilespmem:s30+$0x8C50]  }
0xc7: {  	v21 =	vand.u32 $0x7FFF, v21;
	v23 =	vadd.f32 $1.258291200e+07, v23;
	v24 =	vmul.f32 $5.215188960e+03, v24;
	v29 =	vld [tilespmem:s30+$0x9000]  }
0xc8: {  	v22 =	vand.u32 $0x7FFF, v22;
	v19 =	vadd.f32 $1.258291200e+07, v19;
	v25 =	vmul.f32 $5.215188960e+03, v25;
	v30 =	vld [tilespmem:s30+$0x9010]  }
0xc9: {  	v23 =	vand.u32 $0x7FFF, v23;
	v24 =	vadd.f32 $1.258291200e+07, v24;
	v26 =	vmul.f32 $5.215188960e+03, v26;
	v31 =	vld [tilespmem:s30+$0x9020]  }
0xca: {  	v19 =	vand.u32 $0x7FFF, v19;
	v25 =	vadd.f32 $1.258291200e+07, v25;
	v27 =	vmul.f32 $5.215188960e+03, v27;
	v32 =	vld [tilespmem:s30+$0x9030]  }
0xcb: {  	v24 =	vand.u32 $0x7FFF, v24;
	v26 =	vadd.f32 $1.258291200e+07, v26;
	v28 =	vmul.f32 $5.215188960e+03, v28;
	v33 =	vld [tilespmem:s30+$0x9040]  }
0xcc: {  	v25 =	vand.u32 $0x7FFF, v25;
	v27 =	vadd.f32 $1.258291200e+07, v27;
	v29 =	vmul.f32 $5.215188960e+03, v29;
	v34 =	vld [tilespmem:s30+$0x9050]  }
0xcd: {  	v4 =	vld.idx.msk [tilespmem:v4+s18+$0x0], $0xffff;
	v26 =	vand.u32 $0x7FFF, v26;
	v28 =	vadd.f32 $1.258291200e+07, v28;
	v30 =	vmul.f32 $5.215188960e+03, v30  }
0xce: {  	v10 =	vld.idx.msk [tilespmem:v10+s18+$0x0], $0xffff;
	v27 =	vand.u32 $0x7FFF, v27;
	v29 =	vadd.f32 $1.258291200e+07, v29;
	v31 =	vmul.f32 $5.215188960e+03, v31  }
0xcf: {  	v35 =	vld.idx.msk [tilespmem:v7+s18+$0x0], $0xffff;
	v28 =	vand.u32 $0x7FFF, v28;
	v7 =	vadd.f32 $1.258291200e+07, v30;
	v30 =	vmul.f32 $5.215188960e+03, v32  }
0xd0: {  	v32 =	vld.idx.msk [tilespmem:v6+s18+$0x0], $0xffff;
	v29 =	vand.u32 $0x7FFF, v29;
	v6 =	vadd.f32 $1.258291200e+07, v31;
	v31 =	vmul.f32 $5.215188960e+03, v33  }
0xd1: {  	v33 =	vld.idx.msk [tilespmem:v5+s18+$0x0], $0xffff;
	v36 =	vand.u32 $0x7FFF, v7;
	v5 =	vadd.f32 $1.258291200e+07, v30;
	v30 =	vmul.f32 $5.215188960e+03, v34  }
0xd2: {  	v8 =	vld.idx.msk [tilespmem:v8+s18+$0x0], $0xffff;
	v7 =	vand.u32 $0x7FFF, v6;
	v31 =	vadd.f32 $1.258291200e+07, v31  }
0xd3: {  	[tilespmem:s13+$0x10400] =	vst v4;
	v6 =	vand.u32 $0x7FFF, v5;
	v4 =	vadd.f32 $1.258291200e+07, v30;
	v11 =	vld.idx.msk [tilespmem:v11+s18+$0x0], $0xffff  }
0xd4: {  	v12 =	vld.idx.msk [tilespmem:v12+s18+$0x0], $0xffff;
	[tilespmem:s6+$0x10400] =	vst v10;
	v5 =	vand.u32 $0x7FFF, v31  }
0xd5: {  	v10 =	vld.idx.msk [tilespmem:v13+s18+$0x0], $0xffff;
	[tilespmem:s23+$0x10400] =	vst v35;
	v4 =	vand.u32 $0x7FFF, v4  }
0xd6: {  	v13 =	vld.idx.msk [tilespmem:v14+s18+$0x0], $0xffff;
	[tilespmem:s7+$0x10400] =	vst v32  }
0xd7: {  	v14 =	vld.idx.msk [tilespmem:v15+s18+$0x0], $0xffff;
	[tilespmem:s1+$0x10400] =	vst v33  }
0xd8: {  	v9 =	vld.idx.msk [tilespmem:v9+s18+$0x0], $0xffff;
	[tilespmem:s11+$0x10400] =	vst v8  }
0xd9: {  	v8 =	vld.idx.msk [tilespmem:v17+s18+$0x0], $0xffff;
	[tilespmem:s5+$0x10400] =	vst v11  }
0xda: {  	[tilespmem:s30+$0x10400] =	vst v12;
	v11 =	vld.idx.msk [tilespmem:v18+s18+$0x0], $0xffff  }
0xdb: {  	[tilespmem:s30+$0x10410] =	vst v10;
	v10 =	vld.idx.msk [tilespmem:v16+s18+$0x0], $0xffff  }
0xdc: {  	[tilespmem:s30+$0x10420] =	vst v13;
	v12 =	vld.idx.msk [tilespmem:v20+s18+$0x0], $0xffff  }
0xdd: {  	[tilespmem:s30+$0x10430] =	vst v14;
	v14 =	vld.idx.msk [tilespmem:v21+s18+$0x0], $0xffff  }
0xde: {  	[tilespmem:s30+$0x10440] =	vst v9;
	v9 =	vld.idx.msk [tilespmem:v22+s18+$0x0], $0xffff  }
0xdf: {  	[tilespmem:s30+$0x10450] =	vst v8;
	v8 =	vld.idx.msk [tilespmem:v23+s18+$0x0], $0xffff  }
0xe0: {  	[tilespmem:s30+$0x10800] =	vst v11;
	v15 =	vld.idx.msk [tilespmem:v19+s18+$0x0], $0xffff  }
0xe1: {  	[tilespmem:s30+$0x10810] =	vst v10;
	v10 =	vld.idx.msk [tilespmem:v24+s18+$0x0], $0xffff  }
0xe2: {  	[tilespmem:s30+$0x10820] =	vst v12;
	v13 =	vld.idx.msk [tilespmem:v25+s18+$0x0], $0xffff  }
.Ltmp3:
0xe3: {  	[tilespmem:s30+$0x10830] =	vst v14;
	v12 =	vld.idx.msk [tilespmem:v26+s18+$0x0], $0xffff;
	(pc) =	sbr.rel @p1 .LBB2_5-.Ltmp3, $4  }
0xe4: {  	[tilespmem:s30+$0x10840] =	vst v9;
	v11 =	vld.idx.msk [tilespmem:v27+s18+$0x0], $0xffff  }
0xe5: {  	[tilespmem:s30+$0x10850] =	vst v8;
	v9 =	vld.idx.msk [tilespmem:v28+s18+$0x0], $0xffff  }
0xe6: {  	[tilespmem:s30+$0x10C00] =	vst v15;
	v8 =	vld.idx.msk [tilespmem:v29+s18+$0x0], $0xffff  }
0xe7: {  	s2 =	sadd.s32 $0x1, s2;
	[tilespmem:s30+$0x10C10] =	vst v10;
	v10 =	vld.idx.msk [tilespmem:v36+s18+$0x0], $0xffff  }
0xe8: {  	_ =	sdelay $0x2  }
0xe9: {  	[tilespmem:s30+$0x10C20] =	vst v13  }
0xea: {  	v7 =	vld.idx.msk [tilespmem:v7+s18+$0x0], $0xffff;
	[tilespmem:s30+$0x10C30] =	vst v12  }
0xeb: {  	v6 =	vld.idx.msk [tilespmem:v6+s18+$0x0], $0xffff;
	[tilespmem:s30+$0x10C40] =	vst v11  }
0xec: {  	v5 =	vld.idx.msk [tilespmem:v5+s18+$0x0], $0xffff;
	[tilespmem:s30+$0x10C50] =	vst v9  }
0xed: {  	v4 =	vld.idx.msk [tilespmem:v4+s18+$0x0], $0xffff;
	[tilespmem:s30+$0x11000] =	vst v8  }
0xee: {  	p1 =	sne.s32 s26, $0x3F;
	[tilespmem:s30+$0x11010] =	vst v10  }
.Ltmp4:
0xef: {  	[tilespmem:s30+$0x11020] =	vst v7;
	(pc) =	sbr.rel @p1 .LBB2_8-.Ltmp4, $4  }
0xf0: {  	[tilespmem:s30+$0x11030] =	vst v6  }
0xf1: {  	s29 =	sshll.u32 s26, $0xC;
	[tilespmem:s30+$0x11040] =	vst v5  }
0xf2: {  	s1 =	sadd.s32 s29, s8;
	[tilespmem:s30+$0x11050] =	vst v4  }
0xf3: {  	[hbm4b:s1+s4] =	stream.linear.scatter [tilespmem:s19], [sflag:$0x3], $0x4000, $0x38;
	[tilespmem:$0x18400] =	vst v63  }
.Ltmp5:
0xf4: {  	(pc) =	sbr.rel .LBB2_9-.Ltmp5, $4  }
0xf5: {  	_ = 	snop  }
0xf6: {  	_ =	swait.ge [sflag:s20], $0x4000  }
0xf7: {  	[sflag:s20] =	ssyncset.done $0x0  }
0xf8: {  	[sflag:s20] =	ssyncadd.s32 $0xFFFFC000  }
.LBB2_8:
0xf9: {  	s1 =	rddreg [dreg:$0x8]  }
0xfa: {  	s1 =	sadd.s32 s28, s1  }
0xfb: {  	s1 =	sshll.u32 s1, $0xB  }
0xfc: {  	s1 =	sand.u32 $0x1FFFF000, s1  }
.Ltmp6:
0xfd: {  	s2 =	simm.s32 $0x8400;
	s1 =	sadd.s32 s0, s1;
	(pc) =	sbr.rel @p0 .LBB2_10-.Ltmp6, $4  }
0xfe: {  	[tilespmem:s2], [sflag:$0x1] =	stream.linear.gather [hbm4b:s1+s4], $0x4000, $0x38;
	[tilespmem:$0x18400] =	vst v63  }
0xff: {  	_ =	swait.ge [sflag:s20], $0x4000  }
0x100: {  	[sflag:s20] =	ssyncset.done $0x0  }
0x101: {  	[sflag:s20] =	ssyncadd.s32 $0xFFFFC000  }
.LBB2_9:
0x102: {  	_ =	swait.ge [sflag:s21], $0x4000  }
0x103: {  	[sflag:s21] =	ssyncset.done $0x0  }
0x104: {  	[sflag:s21] =	ssyncadd.s32 $0xFFFFC000  }
.LBB2_10:
0x105: {  	s30 =	simm.s32 $0x0  }
0x106: {  	s15 =	sand.u32 $0x3000, s30;
	s23 =	sand.u32 $0x380, s30  }
0x107: {  	s31 =	sor.u32 s23, s15  }
0x108: {  	v12 =	vld [tilespmem:s31+$0xC400]  }
0x109: {  	v13 =	vld [tilespmem:s31+$0xC410]  }
0x10a: {  	v14 =	vld [tilespmem:s31+$0xC420]  }
0x10b: {  	v15 =	vld [tilespmem:s31+$0xC430]  }
0x10c: {  	v16 =	vld [tilespmem:s31+$0xC440]  }
0x10d: {  	v17 =	vld [tilespmem:s31+$0xC450]  }
0x10e: {  	v18 =	vld [tilespmem:s31+$0xC800]  }
0x10f: {  	v19 =	vld [tilespmem:s31+$0xC810]  }
0x110: {  	v20 =	vld [tilespmem:s31+$0xC820]  }
0x111: {  	v21 =	vld [tilespmem:s31+$0xC830]  }
0x112: {  	v22 =	vld [tilespmem:s31+$0xC840]  }
0x113: {  	v23 =	vld [tilespmem:s31+$0xC850]  }
0x114: {  	v24 =	vld [tilespmem:s31+$0xCC00]  }
0x115: {  	v25 =	vld [tilespmem:s31+$0xCC10]  }
0x116: {  	s1 =	sand.u32 $0x3, s30;
	v26 =	vld [tilespmem:s31+$0xCC20]  }
0x117: {  	s1 =	sshll.u32 s1, $0xC;
	v27 =	vld [tilespmem:s31+$0xCC30]  }
0x118: {  	s2 =	sadd.s32 $0x0, s1;
	v28 =	vld [tilespmem:s31+$0xCC40]  }
0x119: {  	v29 =	vld [tilespmem:s31+$0xCC50];
	s13 =	sor.u32 $0x4C70, s2  }
0x11a: {  	s11 =	sor.u32 $0x4060, s2;
	v4 =	vld [tilespmem:s13+$0x8400]  }
0x11b: {  	s7 =	sor.u32 $0x4070, s2;
	v5 =	vld [tilespmem:s11+$0x8400]  }
0x11c: {  	s5 =	sor.u32 $0x4470, s2;
	v6 =	vld [tilespmem:s7+$0x8400]  }
0x11d: {  	s6 =	sor.u32 $0x4460, s2;
	v8 =	vld [tilespmem:s5+$0x8400]  }
0x11e: {  	v7 =	vld [tilespmem:s6+$0x8400];
	v12 =	vmul.f32 $5.215188960e+03, v12  }
0x11f: {  	v30 =	vld [tilespmem:s31+$0xD000];
	s3 =	sor.u32 $0x4860, s2;
	v4 =	vmul.f32 $5.215188960e+03, v4  }
0x120: {  	s1 =	sor.u32 $0x4870, s2;
	s2 =	sor.u32 $0x4C60, s2;
	v9 =	vld [tilespmem:s3+$0x8400];
	v5 =	vmul.f32 $5.215188960e+03, v5;
	v12 =	vadd.f32 $1.258291200e+07, v12  }
0x121: {  	v11 =	vld [tilespmem:s2+$0x8400];
	v6 =	vmul.f32 $5.215188960e+03, v6;
	v4 =	vadd.f32 $1.258291200e+07, v4  }
0x122: {  	v10 =	vld [tilespmem:s1+$0x8400];
	v8 =	vmul.f32 $5.215188960e+03, v8;
	v5 =	vadd.f32 $1.258291200e+07, v5;
	v12 =	vand.u32 $0x7FFF, v12  }
0x123: {  	v31 =	vld [tilespmem:s31+$0xD010];
	v7 =	vmul.f32 $5.215188960e+03, v7;
	v6 =	vadd.f32 $1.258291200e+07, v6;
	v4 =	vand.u32 $0x7FFF, v4  }
0x124: {  	v32 =	vld [tilespmem:s31+$0xD020];
	v13 =	vmul.f32 $5.215188960e+03, v13;
	v8 =	vadd.f32 $1.258291200e+07, v8;
	v5 =	vand.u32 $0x7FFF, v5  }
0x125: {  	v33 =	vld [tilespmem:s31+$0xD030];
	v9 =	vmul.f32 $5.215188960e+03, v9;
	v7 =	vadd.f32 $1.258291200e+07, v7;
	v6 =	vand.u32 $0x7FFF, v6  }
0x126: {  	v34 =	vld [tilespmem:s31+$0xD040];
	v11 =	vmul.f32 $5.215188960e+03, v11;
	v13 =	vadd.f32 $1.258291200e+07, v13;
	v8 =	vand.u32 $0x7FFF, v8  }
0x127: {  	v10 =	vmul.f32 $5.215188960e+03, v10;
	v9 =	vadd.f32 $1.258291200e+07, v9;
	v7 =	vand.u32 $0x7FFF, v7;
	v12 =	vld.idx.msk [tilespmem:v12+s18+$0x0], $0xffff  }
0x128: {  	v14 =	vmul.f32 $5.215188960e+03, v14;
	v11 =	vadd.f32 $1.258291200e+07, v11;
	v13 =	vand.u32 $0x7FFF, v13;
	v4 =	vld.idx.msk [tilespmem:v4+s18+$0x0], $0xffff  }
0x129: {  	v15 =	vmul.f32 $5.215188960e+03, v15;
	v10 =	vadd.f32 $1.258291200e+07, v10;
	v9 =	vand.u32 $0x7FFF, v9;
	v5 =	vld.idx.msk [tilespmem:v5+s18+$0x0], $0xffff  }
0x12a: {  	v17 =	vmul.f32 $5.215188960e+03, v17;
	v18 =	vmul.f32 $5.215188960e+03, v18;
	v11 =	vand.u32 $0x7FFF, v11;
	v6 =	vld.idx.msk [tilespmem:v6+s18+$0x0], $0xffff  }
0x12b: {  	v14 =	vadd.f32 $1.258291200e+07, v14;
	v15 =	vadd.f32 $1.258291200e+07, v15;
	v10 =	vand.u32 $0x7FFF, v10;
	v8 =	vld.idx.msk [tilespmem:v8+s18+$0x0], $0xffff  }
0x12c: {  	v41 =	vmul.f32 $5.215188960e+03, v19;
	v42 =	vmul.f32 $5.215188960e+03, v20;
	v18 =	vadd.f32 $1.258291200e+07, v18;
	v7 =	vld.idx.msk [tilespmem:v7+s18+$0x0], $0xffff  }
0x12d: {  	v14 =	vand.u32 $0x7FFF, v14;
	v13 =	vld.idx.msk [tilespmem:v13+s18+$0x0], $0xffff;
	[tilespmem:s13+$0x10400] =	vst v4;
	v4 =	vand.u32 $0x7FFF, v15;
	v15 =	vadd.f32 $1.258291200e+07, v17  }
0x12e: {  	v43 =	vmul.f32 $5.215188960e+03, v21;
	v44 =	vadd.f32 $1.258291200e+07, v42;
	v9 =	vld.idx.msk [tilespmem:v9+s18+$0x0], $0xffff;
	[tilespmem:s11+$0x10400] =	vst v5  }
0x12f: {  	v5 =	vld.idx.msk [tilespmem:v11+s18+$0x0], $0xffff;
	[tilespmem:s7+$0x10400] =	vst v6;
	v6 =	vand.u32 $0x7FFF, v18;
	v11 =	vand.u32 $0x7FFF, v15;
	v15 =	vadd.f32 $1.258291200e+07, v41  }
0x130: {  	v16 =	vmul.f32 $5.215188960e+03, v16;
	v10 =	vld.idx.msk [tilespmem:v10+s18+$0x0], $0xffff;
	[tilespmem:s5+$0x10400] =	vst v8;
	v8 =	vand.u32 $0x7FFF, v44  }
0x131: {  	v35 =	vld [tilespmem:s31+$0xD050];
	v48 =	vmul.f32 $5.215188960e+03, v24;
	[tilespmem:s6+$0x10400] =	vst v7;
	v7 =	vand.u32 $0x7FFF, v15;
	v15 =	vadd.f32 $1.258291200e+07, v43  }
0x132: {  	v45 =	vmul.f32 $5.215188960e+03, v22;
	v46 =	vmul.f32 $5.215188960e+03, v23;
	v16 =	vadd.f32 $1.258291200e+07, v16;
	v14 =	vld.idx.msk [tilespmem:v14+s18+$0x0], $0xffff;
	[tilespmem:s31+$0x14400] =	vst v12  }
0x133: {  	v49 =	vmul.f32 $5.215188960e+03, v25;
	v50 =	vadd.f32 $1.258291200e+07, v48;
	[tilespmem:s3+$0x10400] =	vst v9;
	v4 =	vld.idx.msk [tilespmem:v4+s18+$0x0], $0xffff;
	v9 =	vand.u32 $0x7FFF, v15  }
0x134: {  	v47 =	vadd.f32 $1.258291200e+07, v45;
	v16 =	vand.u32 $0x7FFF, v16;
	[tilespmem:s31+$0x14410] =	vst v13;
	v6 =	vld.idx.msk [tilespmem:v6+s18+$0x0], $0xffff;
	v15 =	vadd.f32 $1.258291200e+07, v46  }
0x135: {  	v51 =	vmul.f32 $5.215188960e+03, v26;
	v52 =	vmul.f32 $5.215188960e+03, v27;
	v12 =	vand.u32 $0x7FFF, v50;
	[tilespmem:s1+$0x10400] =	vst v10;
	v8 =	vld.idx.msk [tilespmem:v8+s18+$0x0], $0xffff  }
0x136: {  	v10 =	vand.u32 $0x7FFF, v47;
	[tilespmem:s2+$0x10400] =	vst v5;
	v11 =	vld.idx.msk [tilespmem:v11+s18+$0x0], $0xffff;
	v5 =	vand.u32 $0x7FFF, v15;
	v15 =	vadd.f32 $1.258291200e+07, v49  }
0x137: {  	v54 =	vmul.f32 $5.215188960e+03, v28;
	v53 =	vadd.f32 $1.258291200e+07, v51;
	[tilespmem:s31+$0x14420] =	vst v14;
	v7 =	vld.idx.msk [tilespmem:v7+s18+$0x0], $0xffff  }
0x138: {  	v57 =	vmul.f32 $5.215188960e+03, v30;
	v13 =	vand.u32 $0x7FFF, v15;
	v15 =	vadd.f32 $1.258291200e+07, v52;
	[tilespmem:s31+$0x14430] =	vst v4;
	v4 =	vld.idx.msk [tilespmem:v9+s18+$0x0], $0xffff  }
0x139: {  	v55 =	vmul.f32 $5.215188960e+03, v29;
	v56 =	vadd.f32 $1.258291200e+07, v54;
	v16 =	vld.idx.msk [tilespmem:v16+s18+$0x0], $0xffff;
	v14 =	vand.u32 $0x7FFF, v53;
	[tilespmem:s31+$0x14800] =	vst v6  }
0x13a: {  	v58 =	vmul.f32 $5.215188960e+03, v31;
	v60 =	vadd.f32 $1.258291200e+07, v57;
	v61 =	vld.idx.msk [tilespmem:v12+s18+$0x0], $0xffff;
	[tilespmem:s31+$0x14820] =	vst v8;
	v9 =	vand.u32 $0x7FFF, v15  }
0x13b: {  	v59 =	vand.u32 $0x7FFF, v56;
	v10 =	vld.idx.msk [tilespmem:v10+s18+$0x0], $0xffff;
	v6 =	vmul.f32 $5.215188960e+03, v32;
	v15 =	vadd.f32 $1.258291200e+07, v55;
	[tilespmem:s31+$0x14450] =	vst v11  }
0x13c: {  	v18 =	vand.u32 $0x7FFF, v60;
	v11 =	vadd.f32 $1.258291200e+07, v58;
	v5 =	vld.idx.msk [tilespmem:v5+s18+$0x0], $0xffff;
	[tilespmem:s31+$0x14810] =	vst v7;
	v7 =	vmul.f32 $5.215188960e+03, v33  }
0x13d: {  	v8 =	vmul.f32 $5.215188960e+03, v34;
	v15 =	vand.u32 $0x7FFF, v15;
	v62 =	vld.idx.msk [tilespmem:v13+s18+$0x0], $0xffff;
	[tilespmem:s31+$0x14830] =	vst v4;
	v4 =	vadd.f32 $1.258291200e+07, v6  }
0x13e: {  	v63 =	vand.u32 $0x7FFF, v11;
	v13 =	vld.idx.msk [tilespmem:v14+s18+$0x0], $0xffff;
	v14 =	vmul.f32 $5.215188960e+03, v35;
	v7 =	vadd.f32 $1.258291200e+07, v7  }
0x13f: {  	[tilespmem:s31+$0x14440] =	vst v16;
	v12 =	vld.idx.msk [tilespmem:v9+s18+$0x0], $0xffff;
	v9 =	vadd.f32 $1.258291200e+07, v8;
	v6 =	vand.u32 $0x7FFF, v4  }
0x140: {  	[tilespmem:s31+$0x14C00] =	vst v61;
	v11 =	vld.idx.msk [tilespmem:v59+s18+$0x0], $0xffff;
	v14 =	vadd.f32 $1.258291200e+07, v14;
	v7 =	vand.u32 $0x7FFF, v7  }
0x141: {  	v8 =	vld.idx.msk [tilespmem:v18+s18+$0x0], $0xffff;
	[tilespmem:s31+$0x14850] =	vst v5;
	v5 =	vand.u32 $0x7FFF, v9  }
0x142: {  	[tilespmem:s31+$0x14840] =	vst v10;
	v10 =	vld.idx.msk [tilespmem:v15+s18+$0x0], $0xffff;
	v4 =	vand.u32 $0x7FFF, v14  }
0x143: {  	s3 =	simm.s32 $0x1;
	s1 =	simm.s32 $0x0;
	s2 =	simm.s32 $0x0;
	v9 =	vld.idx.msk [tilespmem:v63+s18+$0x0], $0xffff;
	[tilespmem:s31+$0x14C10] =	vst v62  }
.LBB2_11:
0x144: {  	s5 =	sand.u32 $0x3, s3;
	s2 =	sadd.s32 $0x200, s2;
	[tilespmem:s31+$0x14C20] =	vst v13;
	v6 =	vld.idx.msk [tilespmem:v6+s18+$0x0], $0xffff;
	s30 =	sadd.s32 $0x1000, s30  }
0x145: {  	s1 =	sadd.s32 $0x20, s1;
	s5 =	sshll.u32 s5, $0xC;
	p0 =	slt.u32 s2, $0x3E00;
	[tilespmem:s31+$0x14C30] =	vst v12;
	v7 =	vld.idx.msk [tilespmem:v7+s18+$0x0], $0xffff  }
0x146: {  	s6 =	sand.u32 $0x3000, s30;
	s9 =	sand.u32 $0x380, s1;
	s7 =	sadd.s32 s5, s1;
	[tilespmem:s31+$0x14C40] =	vst v11;
	v5 =	vld.idx.msk [tilespmem:v5+s18+$0x0], $0xffff  }
0x147: {  	s24 =	sor.u32 $0x4060, s7;
	s23 =	sor.u32 $0x4070, s7;
	s15 =	sor.u32 $0x4C70, s7;
	[tilespmem:s31+$0x14C50] =	vst v10;
	v4 =	vld.idx.msk [tilespmem:v4+s18+$0x0], $0xffff  }
0x148: {  	s13 =	sor.u32 $0x4460, s7;
	s11 =	sor.u32 $0x4470, s7;
	s5 =	sor.u32 $0x4860, s7;
	v10 =	vld [tilespmem:s15+$0x8400];
	[tilespmem:s31+$0x15000] =	vst v8  }
0x149: {  	s9 =	sor.u32 s9, s6;
	s6 =	sor.u32 $0x4870, s7;
	s7 =	sor.u32 $0x4C60, s7;
	v8 =	vld [tilespmem:s24+$0x8400];
	[tilespmem:s31+$0x15010] =	vst v9  }
0x14a: {  	v9 =	vld [tilespmem:s23+$0x8400];
	[tilespmem:s31+$0x15020] =	vst v6  }
0x14b: {  	v6 =	vld [tilespmem:s13+$0x8400];
	[tilespmem:s31+$0x15030] =	vst v7  }
0x14c: {  	v7 =	vld [tilespmem:s11+$0x8400];
	[tilespmem:s31+$0x15040] =	vst v5  }
0x14d: {  	v5 =	vld [tilespmem:s5+$0x8400];
	v10 =	vmul.f32 $5.215188960e+03, v10;
	[tilespmem:s31+$0x15050] =	vst v4;
	s31 =	smov.u32 s9  }
0x14e: {  	v4 =	vmul.f32 $5.215188960e+03, v8;
	v8 =	vld [tilespmem:s6+$0x8400]  }
0x14f: {  	v9 =	vmul.f32 $5.215188960e+03, v9;
	v11 =	vld [tilespmem:s7+$0x8400];
	v10 =	vadd.f32 $1.258291200e+07, v10  }
0x150: {  	v12 =	vld [tilespmem:s31+$0xC400];
	v4 =	vadd.f32 $1.258291200e+07, v4;
	v6 =	vmul.f32 $5.215188960e+03, v6  }
0x151: {  	v13 =	vld [tilespmem:s31+$0xC410];
	v9 =	vadd.f32 $1.258291200e+07, v9;
	v7 =	vmul.f32 $5.215188960e+03, v7;
	v10 =	vand.u32 $0x7FFF, v10  }
0x152: {  	v14 =	vld [tilespmem:s31+$0xC420];
	v4 =	vand.u32 $0x7FFF, v4;
	v6 =	vadd.f32 $1.258291200e+07, v6;
	v5 =	vmul.f32 $5.215188960e+03, v5  }
0x153: {  	v15 =	vld [tilespmem:s31+$0xC430];
	v9 =	vand.u32 $0x7FFF, v9;
	v7 =	vadd.f32 $1.258291200e+07, v7;
	v8 =	vmul.f32 $5.215188960e+03, v8  }
0x154: {  	v16 =	vld [tilespmem:s31+$0xC440];
	v6 =	vand.u32 $0x7FFF, v6;
	v5 =	vadd.f32 $1.258291200e+07, v5;
	v11 =	vmul.f32 $5.215188960e+03, v11  }
0x155: {  	v12 =	vmul.f32 $5.215188960e+03, v12;
	v17 =	vld [tilespmem:s31+$0xC450];
	v7 =	vand.u32 $0x7FFF, v7;
	v8 =	vadd.f32 $1.258291200e+07, v8  }
0x156: {  	v13 =	vmul.f32 $5.215188960e+03, v13;
	v5 =	vand.u32 $0x7FFF, v5;
	v11 =	vadd.f32 $1.258291200e+07, v11;
	v10 =	vld.idx.msk [tilespmem:v10+s18+$0x0], $0xffff  }
0x157: {  	v12 =	vadd.f32 $1.258291200e+07, v12;
	v14 =	vmul.f32 $5.215188960e+03, v14;
	v18 =	vld [tilespmem:s31+$0xC800];
	v8 =	vand.u32 $0x7FFF, v8  }
0x158: {  	v13 =	vadd.f32 $1.258291200e+07, v13;
	v15 =	vmul.f32 $5.215188960e+03, v15;
	v19 =	vld [tilespmem:s31+$0xC810];
	v11 =	vand.u32 $0x7FFF, v11  }
0x159: {  	v12 =	vand.u32 $0x7FFF, v12;
	v14 =	vadd.f32 $1.258291200e+07, v14;
	v16 =	vmul.f32 $5.215188960e+03, v16;
	v20 =	vld [tilespmem:s31+$0xC820]  }
0x15a: {  	v13 =	vand.u32 $0x7FFF, v13;
	v15 =	vadd.f32 $1.258291200e+07, v15;
	v17 =	vmul.f32 $5.215188960e+03, v17;
	v21 =	vld [tilespmem:s31+$0xC830]  }
0x15b: {  	v14 =	vand.u32 $0x7FFF, v14;
	v16 =	vadd.f32 $1.258291200e+07, v16;
	v22 =	vld [tilespmem:s31+$0xC840]  }
0x15c: {  	v15 =	vand.u32 $0x7FFF, v15;
	v17 =	vadd.f32 $1.258291200e+07, v17;
	v18 =	vmul.f32 $5.215188960e+03, v18;
	v23 =	vld [tilespmem:s31+$0xC850];
	[tilespmem:s15+$0x10400] =	vst v10  }
0x15d: {  	v10 =	vand.u32 $0x7FFF, v16;
	v16 =	vmul.f32 $5.215188960e+03, v19;
	v19 =	vld [tilespmem:s31+$0xCC00]  }
0x15e: {  	v17 =	vand.u32 $0x7FFF, v17;
	v18 =	vadd.f32 $1.258291200e+07, v18;
	v20 =	vmul.f32 $5.215188960e+03, v20;
	v24 =	vld [tilespmem:s31+$0xCC10]  }
0x15f: {  	v16 =	vadd.f32 $1.258291200e+07, v16;
	v21 =	vmul.f32 $5.215188960e+03, v21;
	v25 =	vld [tilespmem:s31+$0xCC20]  }
0x160: {  	v18 =	vand.u32 $0x7FFF, v18;
	v20 =	vadd.f32 $1.258291200e+07, v20;
	v22 =	vmul.f32 $5.215188960e+03, v22;
	v26 =	vld [tilespmem:s31+$0xCC30]  }
0x161: {  	v16 =	vand.u32 $0x7FFF, v16;
	v21 =	vadd.f32 $1.258291200e+07, v21;
	v23 =	vmul.f32 $5.215188960e+03, v23;
	v27 =	vld [tilespmem:s31+$0xCC40]  }
0x162: {  	v20 =	vand.u32 $0x7FFF, v20;
	v22 =	vadd.f32 $1.258291200e+07, v22;
	v19 =	vmul.f32 $5.215188960e+03, v19;
	v28 =	vld [tilespmem:s31+$0xCC50]  }
0x163: {  	v21 =	vand.u32 $0x7FFF, v21;
	v23 =	vadd.f32 $1.258291200e+07, v23;
	v24 =	vmul.f32 $5.215188960e+03, v24;
	v29 =	vld [tilespmem:s31+$0xD000]  }
0x164: {  	v22 =	vand.u32 $0x7FFF, v22;
	v19 =	vadd.f32 $1.258291200e+07, v19;
	v25 =	vmul.f32 $5.215188960e+03, v25;
	v30 =	vld [tilespmem:s31+$0xD010]  }
0x165: {  	v23 =	vand.u32 $0x7FFF, v23;
	v24 =	vadd.f32 $1.258291200e+07, v24;
	v26 =	vmul.f32 $5.215188960e+03, v26;
	v31 =	vld [tilespmem:s31+$0xD020]  }
0x166: {  	v19 =	vand.u32 $0x7FFF, v19;
	v25 =	vadd.f32 $1.258291200e+07, v25;
	v27 =	vmul.f32 $5.215188960e+03, v27;
	v32 =	vld [tilespmem:s31+$0xD030]  }
0x167: {  	v24 =	vand.u32 $0x7FFF, v24;
	v26 =	vadd.f32 $1.258291200e+07, v26;
	v28 =	vmul.f32 $5.215188960e+03, v28;
	v33 =	vld [tilespmem:s31+$0xD040]  }
0x168: {  	v25 =	vand.u32 $0x7FFF, v25;
	v27 =	vadd.f32 $1.258291200e+07, v27;
	v29 =	vmul.f32 $5.215188960e+03, v29;
	v34 =	vld [tilespmem:s31+$0xD050]  }
0x169: {  	v4 =	vld.idx.msk [tilespmem:v4+s18+$0x0], $0xffff;
	v26 =	vand.u32 $0x7FFF, v26;
	v28 =	vadd.f32 $1.258291200e+07, v28;
	v30 =	vmul.f32 $5.215188960e+03, v30  }
0x16a: {  	v9 =	vld.idx.msk [tilespmem:v9+s18+$0x0], $0xffff;
	v27 =	vand.u32 $0x7FFF, v27;
	v29 =	vadd.f32 $1.258291200e+07, v29;
	v31 =	vmul.f32 $5.215188960e+03, v31  }
0x16b: {  	v35 =	vld.idx.msk [tilespmem:v6+s18+$0x0], $0xffff;
	v28 =	vand.u32 $0x7FFF, v28;
	v6 =	vadd.f32 $1.258291200e+07, v30;
	v30 =	vmul.f32 $5.215188960e+03, v32  }
0x16c: {  	v32 =	vld.idx.msk [tilespmem:v7+s18+$0x0], $0xffff;
	v29 =	vand.u32 $0x7FFF, v29;
	v7 =	vadd.f32 $1.258291200e+07, v31;
	v31 =	vmul.f32 $5.215188960e+03, v33  }
0x16d: {  	v33 =	vld.idx.msk [tilespmem:v5+s18+$0x0], $0xffff;
	v36 =	vand.u32 $0x7FFF, v6;
	v5 =	vadd.f32 $1.258291200e+07, v30;
	v30 =	vmul.f32 $5.215188960e+03, v34  }
0x16e: {  	v8 =	vld.idx.msk [tilespmem:v8+s18+$0x0], $0xffff;
	v6 =	vand.u32 $0x7FFF, v7;
	v31 =	vadd.f32 $1.258291200e+07, v31  }
0x16f: {  	[tilespmem:s24+$0x10400] =	vst v4;
	v7 =	vand.u32 $0x7FFF, v5;
	v4 =	vadd.f32 $1.258291200e+07, v30;
	v11 =	vld.idx.msk [tilespmem:v11+s18+$0x0], $0xffff  }
0x170: {  	v12 =	vld.idx.msk [tilespmem:v12+s18+$0x0], $0xffff;
	[tilespmem:s23+$0x10400] =	vst v9;
	v5 =	vand.u32 $0x7FFF, v31  }
0x171: {  	v9 =	vld.idx.msk [tilespmem:v13+s18+$0x0], $0xffff;
	[tilespmem:s13+$0x10400] =	vst v35;
	v4 =	vand.u32 $0x7FFF, v4  }
0x172: {  	v13 =	vld.idx.msk [tilespmem:v14+s18+$0x0], $0xffff;
	[tilespmem:s11+$0x10400] =	vst v32  }
0x173: {  	v14 =	vld.idx.msk [tilespmem:v15+s18+$0x0], $0xffff;
	[tilespmem:s5+$0x10400] =	vst v33  }
0x174: {  	v10 =	vld.idx.msk [tilespmem:v10+s18+$0x0], $0xffff;
	[tilespmem:s6+$0x10400] =	vst v8  }
0x175: {  	v8 =	vld.idx.msk [tilespmem:v17+s18+$0x0], $0xffff;
	[tilespmem:s7+$0x10400] =	vst v11  }
0x176: {  	[tilespmem:s31+$0x14400] =	vst v12;
	v11 =	vld.idx.msk [tilespmem:v18+s18+$0x0], $0xffff  }
0x177: {  	[tilespmem:s31+$0x14410] =	vst v9;
	v9 =	vld.idx.msk [tilespmem:v16+s18+$0x0], $0xffff  }
0x178: {  	[tilespmem:s31+$0x14420] =	vst v13;
	v12 =	vld.idx.msk [tilespmem:v20+s18+$0x0], $0xffff  }
0x179: {  	[tilespmem:s31+$0x14430] =	vst v14;
	v14 =	vld.idx.msk [tilespmem:v21+s18+$0x0], $0xffff  }
0x17a: {  	[tilespmem:s31+$0x14440] =	vst v10;
	v10 =	vld.idx.msk [tilespmem:v22+s18+$0x0], $0xffff  }
0x17b: {  	[tilespmem:s31+$0x14450] =	vst v8;
	v8 =	vld.idx.msk [tilespmem:v23+s18+$0x0], $0xffff  }
0x17c: {  	[tilespmem:s31+$0x14800] =	vst v11;
	v15 =	vld.idx.msk [tilespmem:v19+s18+$0x0], $0xffff  }
0x17d: {  	[tilespmem:s31+$0x14810] =	vst v9;
	v9 =	vld.idx.msk [tilespmem:v24+s18+$0x0], $0xffff  }
0x17e: {  	[tilespmem:s31+$0x14820] =	vst v12;
	v13 =	vld.idx.msk [tilespmem:v25+s18+$0x0], $0xffff  }
.Ltmp7:
0x17f: {  	[tilespmem:s31+$0x14830] =	vst v14;
	v12 =	vld.idx.msk [tilespmem:v26+s18+$0x0], $0xffff;
	(pc) =	sbr.rel @p0 .LBB2_11-.Ltmp7, $4  }
0x180: {  	[tilespmem:s31+$0x14840] =	vst v10;
	v11 =	vld.idx.msk [tilespmem:v27+s18+$0x0], $0xffff  }
0x181: {  	[tilespmem:s31+$0x14850] =	vst v8;
	v10 =	vld.idx.msk [tilespmem:v28+s18+$0x0], $0xffff  }
0x182: {  	[tilespmem:s31+$0x14C00] =	vst v15;
	v8 =	vld.idx.msk [tilespmem:v29+s18+$0x0], $0xffff  }
0x183: {  	s3 =	sadd.s32 $0x1, s3;
	[tilespmem:s31+$0x14C10] =	vst v9;
	v9 =	vld.idx.msk [tilespmem:v36+s18+$0x0], $0xffff  }
0x184: {  	_ =	sdelay $0x2  }
0x185: {  	[tilespmem:s31+$0x14C20] =	vst v13  }
0x186: {  	v6 =	vld.idx.msk [tilespmem:v6+s18+$0x0], $0xffff;
	[tilespmem:s31+$0x14C30] =	vst v12  }
0x187: {  	v7 =	vld.idx.msk [tilespmem:v7+s18+$0x0], $0xffff;
	[tilespmem:s31+$0x14C40] =	vst v11  }
0x188: {  	v5 =	vld.idx.msk [tilespmem:v5+s18+$0x0], $0xffff;
	[tilespmem:s31+$0x14C50] =	vst v10  }
0x189: {  	v4 =	vld.idx.msk [tilespmem:v4+s18+$0x0], $0xffff;
	[tilespmem:s31+$0x15000] =	vst v8  }
0x18a: {  	p0 =	seq.s32 s26, $0x3F;
	[tilespmem:s31+$0x15010] =	vst v9  }
.Ltmp8:
0x18b: {  	[tilespmem:s31+$0x15020] =	vst v6;
	(pc) =	sbr.rel @p0 .LBB2_14-.Ltmp8, $4  }
0x18c: {  	[tilespmem:s31+$0x15030] =	vst v7  }
0x18d: {  	[tilespmem:s31+$0x15040] =	vst v5  }
0x18e: {  	s1 =	sadd.s32 s12, s29;
	[tilespmem:s31+$0x15050] =	vst v4  }
0x18f: {  	[hbm4b:s1+s4] =	stream.linear.scatter [tilespmem:s22], [sflag:$0x4], $0x4000, $0x38;
	[tilespmem:$0x18400] =	vst v63  }
.Ltmp9:
0x190: {  	(pc) =	sbr.rel .LBB2_4-.Ltmp9, $4  }
0x191: {  	s1 =	sadd.s32 s28, s10  }
0x192: {  	s1 =	sshll.u32 s1, $0xB  }
0x193: {  	s26 =	sadd.s32 $0x1, s26;
	s1 =	sadd.s32 s0, s1  }
0x194: {  	[tilespmem:s16], [sflag:$0x2] =	stream.linear.gather [hbm4b:s1+s4], $0x4000, $0x38;
	[tilespmem:$0x18400] =	vst v63  }
.LBB2_15:
0x195: {  	_ =	sfence.sel $0x180000  }
0x196: {  	[bflag:$0x0] =	sbarrier.arrive $0xFFFF  }
0x197: {  	_ =	strace $0x90000047  }
0x198: {  	s0 =	stileid.u32;
	[bflag:$0x2] =	sbarrier.arrive $0xFFFF  }
0x199: {  	p0 =	sne.s32 s0, $0x0;
	s0 =	rddreg [dreg:$0x4]  }
0x19a: {  	s0 =	sadd.s32 @!p0 $0x100000, s0  }
0x19b: {  	[sflag:s0] =	ssyncadd.tile.s32 @!p0 $0x1;
	_ =	shalt  }
.Lfunc_end2:
_tile_overlayer_lowered:
.L_overlay_start_2:
0x19c: {  	(tag) =	ssettag $0x2  }
0x19d: {  	s0 =	rddreg [dreg:$0x0];
	s2 =	stileid.u32  }
0x19e: {  	s1 =	rddreg [dreg:$0x1];
	p0 =	sne.s32 s2, $0x0  }
0x19f: {  	s3 =	rddreg [dreg:$0x2];
	[bflag:$0x3] =	sbarrier.arrive $0xFFFF;
	s2 =	simm.s32 @!p0 $0x1C05  }
0x1a0: {  	[timem:s3], [sflag:s2] =	dma.local @!p0 [hbm:s0], s1  }
0x1a1: {  	s0 =	simm.s32 @!p0 $0x5  }
0x1a2: {  	_ =	swait.ge @!p0 [sflag:s0], s1  }
0x1a3: {  	s1 =	ssub.s32 @!p0 $0x0, s1;
	[sflag:s0] =	ssyncset.done @!p0 $0x0  }
0x1a4: {  	[sflag:s0] =	ssyncadd.s32 @!p0 s1  }
0x1a5: {  	[bflag:$0x3] =	sbarrier.arrive $0xFFFF  }
0x1a6: {  	_ =	shalt  }

</sc_bundles>
